<compile_context>
chip_gen: v7x
topology: tpu7x:2x2x1
jax: 0.10.2.dev20260603
libtpu: 0.0.44.dev20260713+nightly
codegen_flags: <defaults>
</compile_context>

<pallas_src>
import jax
import jax.numpy as jnp
from jax import lax
from jax.experimental import pallas as pl
from jax.experimental.pallas import tpu as pltpu
from jax.experimental.pallas import tpu_sc as plsc

N = 262144
M = 65536
C = 128
NW = 32
CHUNK = N // NW
SUB = 128
NSUB = CHUNK // SUB

VOXEL_SIZE = (1.0, 1.0, 0.08)
PC_MIN = (-50.0, -50.0, -5.0)

_LANES = 16


def _flags_body(pad_ref, feats_ref, flags_ref):
    pad = pad_ref[0, 0]
    flags_ref[...] = jnp.all(feats_ref[...] == pad, axis=1).astype(jnp.int32)


def _compute_flags(pad, voxel_feats):
    BM = 4096
    return pl.pallas_call(
        _flags_body,
        grid=(M // BM,),
        in_specs=[
            pl.BlockSpec(memory_space=pltpu.SMEM),
            pl.BlockSpec((BM, C), lambda i: (i, 0)),
        ],
        out_specs=pl.BlockSpec((BM,), lambda i: (i,)),
        out_shape=jax.ShapeDtypeStruct((M,), jnp.int32),
    )(pad, voxel_feats)


def _maskscan_body(flags_hbm, inds_hbm, mask_hbm, lcsum_hbm, totals_hbm,
                   flags_v, inds_v, mask_v, lcsum_v, tot128_v):
    cid = lax.axis_index("c")
    sid = lax.axis_index("s")
    wid = cid * 16 + sid
    base = wid * CHUNK
    lanes = jnp.arange(_LANES, dtype=jnp.int32)

    pltpu.sync_copy(flags_hbm, flags_v)
    pltpu.sync_copy(inds_hbm.at[pl.ds(base, CHUNK)], inds_v)

    def step(k, carry):
        idx = inds_v[pl.ds(k * _LANES, _LANES)]
        flg = plsc.load_gather(flags_v, [idx >> 7, idx & 127])
        m = 1 - flg
        mask_v[pl.ds(k * _LANES, _LANES)] = m
        lcsum_v[pl.ds(k * _LANES, _LANES)] = plsc.cumsum(m) + carry
        return carry + jnp.sum(m)

    total = lax.fori_loop(0, CHUNK // _LANES, step, jnp.int32(0))

    tot128_v[pl.ds(0, _LANES)] = jnp.where(lanes == 0, total, 0)
    for t in range(1, 8):
        tot128_v[pl.ds(t * _LANES, _LANES)] = jnp.zeros((_LANES,), jnp.int32)
    pltpu.sync_copy(mask_v, mask_hbm.at[pl.ds(base, CHUNK)])
    pltpu.sync_copy(lcsum_v, lcsum_hbm.at[pl.ds(base, CHUNK)])
    pltpu.sync_copy(tot128_v, totals_hbm.at[wid])


def _mask_scan(flags, inds):
    mesh = plsc.VectorSubcoreMesh(core_axis_name="c", subcore_axis_name="s")
    return pl.kernel(
        _maskscan_body,
        compiler_params=pltpu.CompilerParams(needs_layout_passes=False, use_tc_tiling_on_sc=False),
        out_type=(
            jax.ShapeDtypeStruct((N,), jnp.int32),
            jax.ShapeDtypeStruct((N,), jnp.int32),
            jax.ShapeDtypeStruct((NW, 128), jnp.int32),
        ),
        mesh=mesh,
        scratch_types=[
            pltpu.VMEM((M // 128, 128), jnp.int32),
            pltpu.VMEM((CHUNK,), jnp.int32),
            pltpu.VMEM((CHUNK,), jnp.int32),
            pltpu.VMEM((CHUNK,), jnp.int32),
            pltpu.VMEM((128,), jnp.int32),
        ],
    )(flags, inds)


def _prelude(mask_hbm, lcsum_hbm, totals_hbm, mask_v, lcsum_v, tot_v,
             dest_store):
    cid = lax.axis_index("c")
    sid = lax.axis_index("s")
    wid = cid * 16 + sid
    base = wid * CHUNK
    lanes = jnp.arange(_LANES, dtype=jnp.int32)
    zeros16 = jnp.zeros((_LANES,), jnp.int32)

    pltpu.sync_copy(mask_hbm.at[pl.ds(base, CHUNK)], mask_v)
    pltpu.sync_copy(lcsum_hbm.at[pl.ds(base, CHUNK)], lcsum_v)
    pltpu.sync_copy(totals_hbm, tot_v)

    t_lo = plsc.load_gather(tot_v, [lanes, zeros16])
    t_hi = plsc.load_gather(tot_v, [lanes + 16, zeros16])
    zero_v = jnp.zeros((_LANES,), jnp.int32)
    my_pre = (jnp.sum(jnp.where(lanes < wid, t_lo, zero_v))
              + jnp.sum(jnp.where(lanes + 16 < wid, t_hi, zero_v)))
    tot_all = jnp.sum(t_lo) + jnp.sum(t_hi)

    @pl.loop(0, CHUNK // _LANES)
    def _dest(k):
        m = mask_v[pl.ds(k * _LANES, _LANES)]
        cs = lcsum_v[pl.ds(k * _LANES, _LANES)]
        gi = cs + my_pre
        ivec = base + k * _LANES + lanes
        d = jnp.where(m == 1, gi - 1, tot_all + ivec - gi)
        dest_store(k, d)

    return wid, base


def _xyz_body(mask_hbm, lcsum_hbm, totals_hbm,
              px_hbm, py_hbm, pz_hbm, c1_hbm, c2_hbm, c3_hbm,
              xyz8_out,
              mask_v, lcsum_v, tot_v, dest1_v, sl_v, x8_v, sem):
    def dest_store(k, d):
        dest1_v[pl.ds(k * _LANES, _LANES)] = d

    wid, base = _prelude(mask_hbm, lcsum_hbm, totals_hbm,
                         mask_v, lcsum_v, tot_v, dest_store)
    slice_srcs = (px_hbm, py_hbm, pz_hbm, c1_hbm, c2_hbm, c3_hbm)
    lanes = jnp.arange(_LANES, dtype=jnp.int32)
    zeros16 = jnp.zeros((_LANES,), jnp.int32)
    H = CHUNK // 2

    for h in range(2):
        for r in range(6):
            pltpu.sync_copy(slice_srcs[r].at[pl.ds(base + h * H, H)],
                            sl_v.at[r])

        @pl.loop(0, H // _LANES)
        def _cmp(k):
            s = k * _LANES
            px = sl_v[0, pl.ds(s, _LANES)]
            py = sl_v[1, pl.ds(s, _LANES)]
            pz = sl_v[2, pl.ds(s, _LANES)]
            c1 = sl_v[3, pl.ds(s, _LANES)]
            c2 = sl_v[4, pl.ds(s, _LANES)]
            c3 = sl_v[5, pl.ds(s, _LANES)]
            rows = h * H + s + lanes
            plsc.store_scatter(
                x8_v, [rows, zeros16],
                px - ((c3 + 0.5) * VOXEL_SIZE[0] + PC_MIN[0]))
            plsc.store_scatter(
                x8_v, [rows, zeros16 + 1],
                py - ((c2 + 0.5) * VOXEL_SIZE[1] + PC_MIN[1]))
            plsc.store_scatter(
                x8_v, [rows, zeros16 + 2],
                pz - ((c1 + 0.5) * VOXEL_SIZE[2] + PC_MIN[2]))

    pltpu.async_copy(x8_v, xyz8_out.at[dest1_v], sem)
    pltpu.make_async_copy(x8_v, xyz8_out.at[dest1_v], sem).wait()


def _xyz_pass(mask, lcsum, totals, cols):
    mesh = plsc.VectorSubcoreMesh(core_axis_name="c", subcore_axis_name="s")
    return pl.kernel(
        _xyz_body,
        compiler_params=pltpu.CompilerParams(needs_layout_passes=False, use_tc_tiling_on_sc=False),
        out_type=jax.ShapeDtypeStruct((N, 8), jnp.float32),
        mesh=mesh,
        scratch_types=(
            [pltpu.VMEM((CHUNK,), jnp.int32)] * 2
            + [pltpu.VMEM((NW, 128), jnp.int32)]
            + [pltpu.VMEM((CHUNK,), jnp.int32)]
            + [pltpu.VMEM((6, CHUNK // 2), jnp.float32)]
            + [pltpu.VMEM((CHUNK, 8), jnp.float32)]
            + [pltpu.SemaphoreType.DMA]
        ),
    )(mask, lcsum, totals, *cols)


def _feats_body(vfeats_hbm, inds2_hbm, mask_hbm, lcsum_hbm, totals_hbm,
                feats_out,
                mask_v, lcsum_v, tot_v, dest2_v, inds2_v,
                f0, f1, f2, f3, g0, g1, g2, g3, s0, s1, s2, s3):
    feats_bufs = (f0, f1, f2, f3)
    gsems = (g0, g1, g2, g3)
    ssems = (s0, s1, s2, s3)

    def dest_store(k, d):
        dest2_v[k >> 3, pl.ds((k & 7) * _LANES, _LANES)] = d

    wid, base = _prelude(mask_hbm, lcsum_hbm, totals_hbm,
                         mask_v, lcsum_v, tot_v, dest_store)
    pltpu.sync_copy(inds2_hbm.at[pl.ds(wid * NSUB, NSUB)], inds2_v)

    def fire_gather(j, b):
        pltpu.async_copy(vfeats_hbm.at[inds2_v.at[j]], feats_bufs[b], gsems[b])

    def drain_gather(b):
        pltpu.make_async_copy(vfeats_hbm.at[inds2_v.at[0]], feats_bufs[b],
                              gsems[b]).wait()

    def fire_scatter(j, b):
        pltpu.async_copy(feats_bufs[b], feats_out.at[dest2_v.at[j]], ssems[b])

    def drain_scatter(b):
        pltpu.make_async_copy(feats_bufs[b], feats_out.at[dest2_v.at[0]],
                              ssems[b]).wait()

    fire_gather(0, 0)
    fire_gather(1, 1)

    @pl.loop(0, NSUB, step=4)
    def _ring(g):
        for b in range(4):
            j = g + b
            bp = (b + 2) % 4

            @pl.when(jnp.logical_and(j >= 2, j + 2 < NSUB))
            def _():
                drain_scatter(bp)

            @pl.when(j + 2 < NSUB)
            def _():
                fire_gather(j + 2, bp)

            drain_gather(b)
            fire_scatter(j, b)

    drain_scatter(0)
    drain_scatter(1)
    drain_scatter(2)
    drain_scatter(3)


def _feats_pass(voxel_feats, inds2, mask, lcsum, totals):
    mesh = plsc.VectorSubcoreMesh(core_axis_name="c", subcore_axis_name="s")
    return pl.kernel(
        _feats_body,
        compiler_params=pltpu.CompilerParams(needs_layout_passes=False, use_tc_tiling_on_sc=True),
        out_type=jax.ShapeDtypeStruct((N, C), jnp.float32),
        mesh=mesh,
        scratch_types=(
            [pltpu.VMEM((CHUNK,), jnp.int32)] * 2
            + [pltpu.VMEM((NW, 128), jnp.int32)]
            + [pltpu.VMEM((NSUB, SUB), jnp.int32)] * 2
            + [pltpu.VMEM((SUB, C), jnp.float32)] * 4
            + [pltpu.SemaphoreType.DMA] * 8
        ),
    )(voxel_feats, inds2, mask, lcsum, totals)


_BR = 8192


def _assemble_body(f_ref, x_ref, o_ref):
    o_ref[...] = jnp.concatenate([f_ref[...], x_ref[:, :3]], axis=1).T


def _assemble(feats_s, xyz8):
    return pl.pallas_call(
        _assemble_body,
        grid=(N // _BR,),
        in_specs=[
            pl.BlockSpec((_BR, C), lambda i: (i, 0)),
            pl.BlockSpec((_BR, 8), lambda i: (i, 0)),
        ],
        out_specs=pl.BlockSpec((C + 3, _BR), lambda i: (0, i)),
        out_shape=jax.ShapeDtypeStruct((C + 3, N), jnp.float32),
    )(feats_s, xyz8)


def kernel(points, pts_coors, voxel_feats, voxel2point_inds, voxel_padding):
    pad = jnp.asarray(voxel_padding, jnp.float32).reshape(1, 1)
    flags = _compute_flags(pad, voxel_feats)
    mask_i32, lcsum, totals = _mask_scan(flags.reshape(M // 128, 128),
                                         voxel2point_inds)
    inds2 = voxel2point_inds.reshape(N // SUB, SUB)
    cols = (points[:, 0], points[:, 1], points[:, 2],
            pts_coors[:, 1].astype(jnp.float32),
            pts_coors[:, 2].astype(jnp.float32),
            pts_coors[:, 3].astype(jnp.float32))
    xyz8 = _xyz_pass(mask_i32, lcsum, totals, cols)
    feats_s = _feats_pass(voxel_feats, inds2, mask_i32, lcsum, totals)
    results = _assemble(feats_s, xyz8).T
    return results, mask_i32.astype(bool)

# --- scband reference (transcript-rebuilt; emitter-appended) ---
"""Pipeline reference for scband-voxel2-point-scatter-neck-7232724926775 (READ-ONLY COPY).

The authoritative reference and input builder live on the scoring server;
editing this copy changes nothing except your own understanding.
"""

import jax, jax.numpy as jnp
import numpy as np

POINT_CLOUD_RANGE = [-50.0, -50.0, -5.0, 50.0, 50.0, 3.0]
VOXEL_SIZE = [1.0, 1.0, 0.08]

N = 262144
M = 65536
C_FEAT = 128


def setup_inputs(seed: int = 0) -> dict:
    key = jax.random.key(seed)
    k1, k2, k3, k4 = jax.random.split(key, 4)
    points = jax.random.normal(k1, (N, 4), dtype=jnp.float32)
    pts_coors = jax.random.randint(k2, (N, 4), 0, 100)
    voxel_feats = jax.random.normal(k3, (M, C_FEAT), dtype=jnp.float32)
    voxel2point_inds = jax.random.randint(k4, (N,), 0, M)
    return {
        "points": points,
        "pts_coors": pts_coors,
        "voxel_feats": voxel_feats,
        "voxel2point_inds": voxel2point_inds,
        "voxel_padding": jnp.asarray(-1.0, dtype=jnp.float32),
    }


def reference(points, pts_coors, voxel_feats, voxel2point_inds, voxel_padding=-1):
    dtype = voxel_feats.dtype
    # gather voxel features to points (the memory-bound embedding lookup)
    pts_feats = jnp.take(voxel_feats, voxel2point_inds, axis=0)
    # mask out points whose voxel feature row is all padding
    pts_mask = ~jnp.all(pts_feats == voxel_padding, axis=1)
    keep = jnp.argsort(jnp.where(pts_mask, 0, 1), stable=True)
    pts_feats_k = pts_feats[keep]
    pts_coors_k = pts_coors[keep]
    points_k = points[keep]
    voxel_size = jnp.asarray(VOXEL_SIZE, dtype=dtype).reshape(1, 3)
    pc_min_range = jnp.asarray(POINT_CLOUD_RANGE[:3], dtype=dtype).reshape(1, 3)
    # coors are (batch, z, y, x) -> take (x, y, z)
    voxel_center_each_pts = (pts_coors_k[:, jnp.array([3, 2, 1])].astype(dtype) + 0.5) * voxel_size + pc_min_range
    local_xyz = points_k[:, :3] - voxel_center_each_pts
    # normalize_local_xyz = False -> no division
    results = jnp.concatenate([pts_feats_k, local_xyz], axis=1)
    return results, pts_mask

if __name__ == "__main__":
    import jax
    _d = setup_inputs()
    print(jax.jit(kernel)(*tuple(_d.values())))

</pallas_src>

<mosaic_0001>
#map = affine_map<(d0, d1) -> (0, 0)>
#map1 = affine_map<(d0, d1) -> (0)>
module attributes {stable_mosaic.version = 14 : i64} {
  func.func @_maskscan_body(%arg0: i32, %arg1: i32, %arg2: memref<512x128xi32, #tpu.memory_space<hbm>>, %arg3: memref<262144xi32, #tpu.memory_space<hbm>>, %arg4: memref<262144xi32, #tpu.memory_space<hbm>>, %arg5: memref<262144xi32, #tpu.memory_space<hbm>>, %arg6: memref<32x128xi32, #tpu.memory_space<hbm>>, %arg7: memref<512x128xi32, #tpu.memory_space<vmem>>, %arg8: memref<8192xi32, #tpu.memory_space<vmem>>, %arg9: memref<8192xi32, #tpu.memory_space<vmem>>, %arg10: memref<8192xi32, #tpu.memory_space<vmem>>, %arg11: memref<128xi32, #tpu.memory_space<vmem>>) attributes {dimension_semantics = [#tpu.dimension_semantics<core_parallel>, #tpu.dimension_semantics<subcore_parallel>], iteration_bounds = array<i64: 2, 16>, scalar_prefetch = 0 : i64, scratch_operands = 5 : i64, tpu.core_type = #tpu.core_type<sc_vector_subcore>, window_params = [{transform_indices = #map}, {transform_indices = #map1}, {transform_indices = #map1}, {transform_indices = #map1}, {transform_indices = #map}]} {
    %mul3A = arith.constant 16 : i32
    %mul3A_0 = arith.muli %arg0, %mul3A : i32
    %add3A = arith.addi %mul3A_0, %arg1 : i32
    %mul3A_1 = arith.constant 8192 : i32
    %mul3A_2 = arith.muli %add3A, %mul3A_1 : i32
    %iota3A = tpu.iota {dimensions = array<i32: 0>} : vector<16xi32>
    "tpu.region"() ({
      %run_scoped3A = tpu.sem_alloc : memref<!tpu.dma_semaphore, #tpu.memory_space<semaphore_mem>>
      tpu.enqueue_dma source(%arg2 : memref<512x128xi32, #tpu.memory_space<hbm>>) target(%arg7 : memref<512x128xi32, #tpu.memory_space<vmem>>) target_semaphore(%run_scoped3A : memref<!tpu.dma_semaphore, #tpu.memory_space<semaphore_mem>>)
      tpu.wait_dma2 semaphore(%run_scoped3A : memref<!tpu.dma_semaphore, #tpu.memory_space<semaphore_mem>>) src(%arg2 : memref<512x128xi32, #tpu.memory_space<hbm>>) dst(%arg7 : memref<512x128xi32, #tpu.memory_space<vmem>>)
      tpu.yield
    }) : () -> ()
    "tpu.region"() ({
      %run_scoped3A = tpu.sem_alloc : memref<!tpu.dma_semaphore, #tpu.memory_space<semaphore_mem>>
      %dma_start3A = tpu.memref_slice %arg3[%mul3A_2] : memref<262144xi32, #tpu.memory_space<hbm>> -> memref<8192xi32, #tpu.memory_space<hbm>>
      %dma_start3A_41 = tpu.memref_slice %arg3[%mul3A_2] : memref<262144xi32, #tpu.memory_space<hbm>> -> memref<8192xi32, #tpu.memory_space<hbm>>
      tpu.enqueue_dma source(%dma_start3A_41 : memref<8192xi32, #tpu.memory_space<hbm>>) target(%arg8 : memref<8192xi32, #tpu.memory_space<vmem>>) target_semaphore(%run_scoped3A : memref<!tpu.dma_semaphore, #tpu.memory_space<semaphore_mem>>)
      %dma_wait3A = tpu.memref_slice %arg3[%mul3A_2] : memref<262144xi32, #tpu.memory_space<hbm>> -> memref<8192xi32, #tpu.memory_space<hbm>>
      %dma_wait3A_42 = tpu.memref_slice %arg3[%mul3A_2] : memref<262144xi32, #tpu.memory_space<hbm>> -> memref<8192xi32, #tpu.memory_space<hbm>>
      tpu.wait_dma2 semaphore(%run_scoped3A : memref<!tpu.dma_semaphore, #tpu.memory_space<semaphore_mem>>) src(%dma_wait3A_42 : memref<8192xi32, #tpu.memory_space<hbm>>) dst(%arg8 : memref<8192xi32, #tpu.memory_space<vmem>>)
      tpu.yield
    }) : () -> ()
    %scan3A = arith.constant 0 : i32
    %scan3A_3 = arith.constant 0 : i32
    %scan3A_4 = arith.constant 512 : i32
    %scan3A_5 = arith.addi %scan3A_3, %scan3A_4 : i32
    %scan3A_6 = arith.constant 1 : i32
    %scan3A_7 = scf.for %scan3A_41 = %scan3A_3 to %scan3A_5 step %scan3A_6 iter_args(%scan3A_42 = %scan3A) -> (i32)  : i32 {
      %mul3A_43 = arith.constant 16 : i32
      %mul3A_44 = arith.muli %scan3A_41, %mul3A_43 : i32
      %get3A = arith.index_cast %mul3A_44 : i32 to index
      %get3A_45 = tpu.vector_load %arg8[%get3A] {strides = array<i32>} : memref<8192xi32, #tpu.memory_space<vmem>>, vector<16xi32>,
      %shift_right_arithmetic3A = arith.constant 7 : i32
      %shift_right_arithmetic3A_46 = vector.broadcast %shift_right_arithmetic3A : i32 to vector<16xi32>
      %shift_right_arithmetic3A_47 = arith.shrsi %get3A_45, %shift_right_arithmetic3A_46 : vector<16xi32>
      %and3A = arith.constant 127 : i32
      %and3A_48 = vector.broadcast %and3A : i32 to vector<16xi32>
      %and3A_49 = arith.andi %get3A_45, %and3A_48 : vector<16xi32>
      %gather3A = tpu.vector_load_idx %arg7[%shift_right_arithmetic3A_47, %and3A_49] : memref<512x128xi32, #tpu.memory_space<vmem>>[vector<16xi32>, vector<16xi32>], vector<16xi32>,
      %sub3A = arith.constant 1 : i32
      %sub3A_50 = vector.broadcast %sub3A : i32 to vector<16xi32>
      %sub3A_51 = arith.subi %sub3A_50, %gather3A : vector<16xi32>
      %mul3A_52 = arith.constant 16 : i32
      %mul3A_53 = arith.muli %scan3A_41, %mul3A_52 : i32
      %swap3A_54 = arith.index_cast %mul3A_53 : i32 to index
      %swap3A_55 = tpu.vector_load %arg9[%swap3A_54] {strides = array<i32>} : memref<8192xi32, #tpu.memory_space<vmem>>, vector<16xi32>,
      tpu.vector_store %arg9[%swap3A_54], %sub3A_51 {strides = array<i32>} : memref<8192xi32, #tpu.memory_space<vmem>>, vector<16xi32>,
      %broadcast_in_dim3A_56 = arith.constant true
      %broadcast_in_dim3A_57 = vector.broadcast %broadcast_in_dim3A_56 : i1 to vector<16xi1>
      %masked_cumsum3A = tpu.scan <sum>, %sub3A_51 masked %broadcast_in_dim3A_57 : vector<16xi32>, vector<16xi1> -> vector<16xi32>
      %add3A_58 = vector.broadcast %scan3A_42 : i32 to vector<16xi32>
      %add3A_59 = arith.addi %masked_cumsum3A, %add3A_58 : vector<16xi32>
      %mul3A_60 = arith.constant 16 : i32
      %mul3A_61 = arith.muli %scan3A_41, %mul3A_60 : i32
      %swap3A_62 = arith.index_cast %mul3A_61 : i32 to index
      %swap3A_63 = tpu.vector_load %arg10[%swap3A_62] {strides = array<i32>} : memref<8192xi32, #tpu.memory_space<vmem>>, vector<16xi32>,
      tpu.vector_store %arg10[%swap3A_62], %add3A_59 {strides = array<i32>} : memref<8192xi32, #tpu.memory_space<vmem>>, vector<16xi32>,
      %reduce_sum3A = arith.constant true
      %reduce_sum3A_64 = vector.broadcast %reduce_sum3A : i1 to vector<16xi1>
      %reduce_sum3A_65 = tpu.scan <sum>, %sub3A_51 masked %reduce_sum3A_64 : vector<16xi32>, vector<16xi1> -> vector<16xi32>
      %reduce_sum3A_66 = vector.extract %reduce_sum3A_65[15] : i32 from vector<16xi32>
      %add3A_67 = arith.addi %scan3A_42, %reduce_sum3A_66 : i32
      scf.yield %add3A_67 : i32
    }
    %scan3A_8 = arith.constant 512 : i32
    %eq3A = arith.constant 0 : i32
    %eq3A_9 = vector.broadcast %eq3A : i32 to vector<16xi32>
    %eq3A_10 = arith.cmpi eq, %iota3A, %eq3A_9 : vector<16xi32>
    %jit3A = arith.constant 0 : i32
    %broadcast_in_dim3A = vector.broadcast %scan3A_7 : i32 to vector<16xi32>
    %broadcast_in_dim3A_11 = vector.broadcast %jit3A : i32 to vector<16xi32>
    %select_n3A = arith.select %eq3A_10, %broadcast_in_dim3A, %broadcast_in_dim3A_11 : vector<16xi1>, vector<16xi32>
    %swap3A = arith.constant 0 : index
    %swap3A_12 = tpu.vector_load %arg11[%swap3A] {strides = array<i32>} : memref<128xi32, #tpu.memory_space<vmem>>, vector<16xi32>,
    tpu.vector_store %arg11[%swap3A], %select_n3A {strides = array<i32>} : memref<128xi32, #tpu.memory_space<vmem>>, vector<16xi32>,
    %broadcast_in_dim3A_13 = arith.constant 0 : i32
    %broadcast_in_dim3A_14 = vector.broadcast %broadcast_in_dim3A_13 : i32 to vector<16xi32>
    %swap3A_15 = arith.constant 16 : index
    %swap3A_16 = tpu.vector_load %arg11[%swap3A_15] {strides = array<i32>} : memref<128xi32, #tpu.memory_space<vmem>>, vector<16xi32>,
    tpu.vector_store %arg11[%swap3A_15], %broadcast_in_dim3A_14 {strides = array<i32>} : memref<128xi32, #tpu.memory_space<vmem>>, vector<16xi32>,
    %broadcast_in_dim3A_17 = arith.constant 0 : i32
    %broadcast_in_dim3A_18 = vector.broadcast %broadcast_in_dim3A_17 : i32 to vector<16xi32>
    %swap3A_19 = arith.constant 32 : index
    %swap3A_20 = tpu.vector_load %arg11[%swap3A_19] {strides = array<i32>} : memref<128xi32, #tpu.memory_space<vmem>>, vector<16xi32>,
    tpu.vector_store %arg11[%swap3A_19], %broadcast_in_dim3A_18 {strides = array<i32>} : memref<128xi32, #tpu.memory_space<vmem>>, vector<16xi32>,
    %broadcast_in_dim3A_21 = arith.constant 0 : i32
    %broadcast_in_dim3A_22 = vector.broadcast %broadcast_in_dim3A_21 : i32 to vector<16xi32>
    %swap3A_23 = arith.constant 48 : index
    %swap3A_24 = tpu.vector_load %arg11[%swap3A_23] {strides = array<i32>} : memref<128xi32, #tpu.memory_space<vmem>>, vector<16xi32>,
    tpu.vector_store %arg11[%swap3A_23], %broadcast_in_dim3A_22 {strides = array<i32>} : memref<128xi32, #tpu.memory_space<vmem>>, vector<16xi32>,
    %broadcast_in_dim3A_25 = arith.constant 0 : i32
    %broadcast_in_dim3A_26 = vector.broadcast %broadcast_in_dim3A_25 : i32 to vector<16xi32>
    %swap3A_27 = arith.constant 64 : index
    %swap3A_28 = tpu.vector_load %arg11[%swap3A_27] {strides = array<i32>} : memref<128xi32, #tpu.memory_space<vmem>>, vector<16xi32>,
    tpu.vector_store %arg11[%swap3A_27], %broadcast_in_dim3A_26 {strides = array<i32>} : memref<128xi32, #tpu.memory_space<vmem>>, vector<16xi32>,
    %broadcast_in_dim3A_29 = arith.constant 0 : i32
    %broadcast_in_dim3A_30 = vector.broadcast %broadcast_in_dim3A_29 : i32 to vector<16xi32>
    %swap3A_31 = arith.constant 80 : index
    %swap3A_32 = tpu.vector_load %arg11[%swap3A_31] {strides = array<i32>} : memref<128xi32, #tpu.memory_space<vmem>>, vector<16xi32>,
    tpu.vector_store %arg11[%swap3A_31], %broadcast_in_dim3A_30 {strides = array<i32>} : memref<128xi32, #tpu.memory_space<vmem>>, vector<16xi32>,
    %broadcast_in_dim3A_33 = arith.constant 0 : i32
    %broadcast_in_dim3A_34 = vector.broadcast %broadcast_in_dim3A_33 : i32 to vector<16xi32>
    %swap3A_35 = arith.constant 96 : index
    %swap3A_36 = tpu.vector_load %arg11[%swap3A_35] {strides = array<i32>} : memref<128xi32, #tpu.memory_space<vmem>>, vector<16xi32>,
    tpu.vector_store %arg11[%swap3A_35], %broadcast_in_dim3A_34 {strides = array<i32>} : memref<128xi32, #tpu.memory_space<vmem>>, vector<16xi32>,
    %broadcast_in_dim3A_37 = arith.constant 0 : i32
    %broadcast_in_dim3A_38 = vector.broadcast %broadcast_in_dim3A_37 : i32 to vector<16xi32>
    %swap3A_39 = arith.constant 112 : index
    %swap3A_40 = tpu.vector_load %arg11[%swap3A_39] {strides = array<i32>} : memref<128xi32, #tpu.memory_space<vmem>>, vector<16xi32>,
    tpu.vector_store %arg11[%swap3A_39], %broadcast_in_dim3A_38 {strides = array<i32>} : memref<128xi32, #tpu.memory_space<vmem>>, vector<16xi32>,
    "tpu.region"() ({
      %run_scoped3A = tpu.sem_alloc : memref<!tpu.dma_semaphore, #tpu.memory_space<semaphore_mem>>
      %dma_start3A = tpu.memref_slice %arg4[%mul3A_2] : memref<262144xi32, #tpu.memory_space<hbm>> -> memref<8192xi32, #tpu.memory_space<hbm>>
      %dma_start3A_41 = tpu.memref_slice %arg4[%mul3A_2] : memref<262144xi32, #tpu.memory_space<hbm>> -> memref<8192xi32, #tpu.memory_space<hbm>>
      tpu.enqueue_dma source(%arg9 : memref<8192xi32, #tpu.memory_space<vmem>>) target(%dma_start3A_41 : memref<8192xi32, #tpu.memory_space<hbm>>) target_semaphore(%run_scoped3A : memref<!tpu.dma_semaphore, #tpu.memory_space<semaphore_mem>>)
      %dma_wait3A = tpu.memref_slice %arg4[%mul3A_2] : memref<262144xi32, #tpu.memory_space<hbm>> -> memref<8192xi32, #tpu.memory_space<hbm>>
      %dma_wait3A_42 = tpu.memref_slice %arg4[%mul3A_2] : memref<262144xi32, #tpu.memory_space<hbm>> -> memref<8192xi32, #tpu.memory_space<hbm>>
      tpu.wait_dma2 semaphore(%run_scoped3A : memref<!tpu.dma_semaphore, #tpu.memory_space<semaphore_mem>>) src(%arg9 : memref<8192xi32, #tpu.memory_space<vmem>>) dst(%dma_wait3A_42 : memref<8192xi32, #tpu.memory_space<hbm>>)
      tpu.yield
    }) : () -> ()
    "tpu.region"() ({
      %run_scoped3A = tpu.sem_alloc : memref<!tpu.dma_semaphore, #tpu.memory_space<semaphore_mem>>
      %dma_start3A = tpu.memref_slice %arg5[%mul3A_2] : memref<262144xi32, #tpu.memory_space<hbm>> -> memref<8192xi32, #tpu.memory_space<hbm>>
      %dma_start3A_41 = tpu.memref_slice %arg5[%mul3A_2] : memref<262144xi32, #tpu.memory_space<hbm>> -> memref<8192xi32, #tpu.memory_space<hbm>>
      tpu.enqueue_dma source(%arg10 : memref<8192xi32, #tpu.memory_space<vmem>>) target(%dma_start3A_41 : memref<8192xi32, #tpu.memory_space<hbm>>) target_semaphore(%run_scoped3A : memref<!tpu.dma_semaphore, #tpu.memory_space<semaphore_mem>>)
      %dma_wait3A = tpu.memref_slice %arg5[%mul3A_2] : memref<262144xi32, #tpu.memory_space<hbm>> -> memref<8192xi32, #tpu.memory_space<hbm>>
      %dma_wait3A_42 = tpu.memref_slice %arg5[%mul3A_2] : memref<262144xi32, #tpu.memory_space<hbm>> -> memref<8192xi32, #tpu.memory_space<hbm>>
      tpu.wait_dma2 semaphore(%run_scoped3A : memref<!tpu.dma_semaphore, #tpu.memory_space<semaphore_mem>>) src(%arg10 : memref<8192xi32, #tpu.memory_space<vmem>>) dst(%dma_wait3A_42 : memref<8192xi32, #tpu.memory_space<hbm>>)
      tpu.yield
    }) : () -> ()
    "tpu.region"() ({
      %run_scoped3A = tpu.sem_alloc : memref<!tpu.dma_semaphore, #tpu.memory_space<semaphore_mem>>
      %dma_start3A = arith.constant 0 : i32
      %dma_start3A_41 = tpu.memref_slice %arg6[%add3A, %dma_start3A] : memref<32x128xi32, #tpu.memory_space<hbm>> -> memref<1x128xi32, #tpu.memory_space<hbm>>
      %dma_start3A_42 = tpu.memref_squeeze %dma_start3A_41 : memref<1x128xi32, #tpu.memory_space<hbm>> -> memref<128xi32, #tpu.memory_space<hbm>>
      %dma_start3A_43 = arith.constant 0 : i32
      %dma_start3A_44 = tpu.memref_slice %arg6[%add3A, %dma_start3A_43] : memref<32x128xi32, #tpu.memory_space<hbm>> -> memref<1x128xi32, #tpu.memory_space<hbm>>
      %dma_start3A_45 = tpu.memref_squeeze %dma_start3A_44 : memref<1x128xi32, #tpu.memory_space<hbm>> -> memref<128xi32, #tpu.memory_space<hbm>>
      tpu.enqueue_dma source(%arg11 : memref<128xi32, #tpu.memory_space<vmem>>) target(%dma_start3A_45 : memref<128xi32, #tpu.memory_space<hbm>>) target_semaphore(%run_scoped3A : memref<!tpu.dma_semaphore, #tpu.memory_space<semaphore_mem>>)
      %dma_wait3A = arith.constant 0 : i32
      %dma_wait3A_46 = tpu.memref_slice %arg6[%add3A, %dma_wait3A] : memref<32x128xi32, #tpu.memory_space<hbm>> -> memref<1x128xi32, #tpu.memory_space<hbm>>
      %dma_wait3A_47 = tpu.memref_squeeze %dma_wait3A_46 : memref<1x128xi32, #tpu.memory_space<hbm>> -> memref<128xi32, #tpu.memory_space<hbm>>
      %dma_wait3A_48 = arith.constant 0 : i32
      %dma_wait3A_49 = tpu.memref_slice %arg6[%add3A, %dma_wait3A_48] : memref<32x128xi32, #tpu.memory_space<hbm>> -> memref<1x128xi32, #tpu.memory_space<hbm>>
      %dma_wait3A_50 = tpu.memref_squeeze %dma_wait3A_49 : memref<1x128xi32, #tpu.memory_space<hbm>> -> memref<128xi32, #tpu.memory_space<hbm>>
      tpu.wait_dma2 semaphore(%run_scoped3A : memref<!tpu.dma_semaphore, #tpu.memory_space<semaphore_mem>>) src(%arg11 : memref<128xi32, #tpu.memory_space<vmem>>) dst(%dma_wait3A_50 : memref<128xi32, #tpu.memory_space<hbm>>)
      tpu.yield
    }) : () -> ()
    return
  }
}

#map = affine_map<(d0, d1) -> (0, 0)>
#map1 = affine_map<(d0, d1) -> (0)>
module attributes {stable_mosaic.version = 14 : i64} {
  func.func @_feats_body(%arg0: i32, %arg1: i32, %arg2: memref<65536x128xf32, #tpu.memory_space<hbm>>, %arg3: memref<2048x128xi32, #tpu.memory_space<hbm>>, %arg4: memref<262144xi32, #tpu.memory_space<hbm>>, %arg5: memref<262144xi32, #tpu.memory_space<hbm>>, %arg6: memref<32x128xi32, #tpu.memory_space<hbm>>, %arg7: memref<262144x128xf32, #tpu.memory_space<hbm>>, %arg8: memref<8192xi32, #tpu.memory_space<vmem>>, %arg9: memref<8192xi32, #tpu.memory_space<vmem>>, %arg10: memref<32x128xi32, #tpu.memory_space<vmem>>, %arg11: memref<64x128xi32, #tpu.memory_space<vmem>>, %arg12: memref<64x128xi32, #tpu.memory_space<vmem>>, %arg13: memref<128x128xf32, #tpu.memory_space<vmem>>, %arg14: memref<128x128xf32, #tpu.memory_space<vmem>>, %arg15: memref<128x128xf32, #tpu.memory_space<vmem>>, %arg16: memref<128x128xf32, #tpu.memory_space<vmem>>, %arg17: memref<!tpu.dma_semaphore, #tpu.memory_space<semaphore_mem>>, %arg18: memref<!tpu.dma_semaphore, #tpu.memory_space<semaphore_mem>>, %arg19: memref<!tpu.dma_semaphore, #tpu.memory_space<semaphore_mem>>, %arg20: memref<!tpu.dma_semaphore, #tpu.memory_space<semaphore_mem>>, %arg21: memref<!tpu.dma_semaphore, #tpu.memory_space<semaphore_mem>>, %arg22: memref<!tpu.dma_semaphore, #tpu.memory_space<semaphore_mem>>, %arg23: memref<!tpu.dma_semaphore, #tpu.memory_space<semaphore_mem>>, %arg24: memref<!tpu.dma_semaphore, #tpu.memory_space<semaphore_mem>>) attributes {dimension_semantics = [#tpu.dimension_semantics<core_parallel>, #tpu.dimension_semantics<subcore_parallel>], iteration_bounds = array<i64: 2, 16>, scalar_prefetch = 0 : i64, scratch_operands = 17 : i64, tpu.core_type = #tpu.core_type<sc_vector_subcore>, window_params = [{transform_indices = #map}, {transform_indices = #map}, {transform_indices = #map1}, {transform_indices = #map1}, {transform_indices = #map}, {transform_indices = #map}]} {
    %mul3A = arith.constant 16 : i32
    %mul3A_0 = arith.muli %arg0, %mul3A : i32
    %add3A = arith.addi %mul3A_0, %arg1 : i32
    %mul3A_1 = arith.constant 8192 : i32
    %mul3A_2 = arith.muli %add3A, %mul3A_1 : i32
    %iota3A = tpu.iota {dimensions = array<i32: 0>} : vector<16xi32>
    %broadcast_in_dim3A = arith.constant 0 : i32
    %broadcast_in_dim3A_3 = vector.broadcast %broadcast_in_dim3A : i32 to vector<16xi32>
    "tpu.region"() ({
      %run_scoped3A = tpu.sem_alloc : memref<!tpu.dma_semaphore, #tpu.memory_space<semaphore_mem>>
      %dma_start3A_85 = tpu.memref_slice %arg4[%mul3A_2] : memref<262144xi32, #tpu.memory_space<hbm>> -> memref<8192xi32, #tpu.memory_space<hbm>>
      %dma_start3A_86 = tpu.memref_slice %arg4[%mul3A_2] : memref<262144xi32, #tpu.memory_space<hbm>> -> memref<8192xi32, #tpu.memory_space<hbm>>
      tpu.enqueue_dma source(%dma_start3A_86 : memref<8192xi32, #tpu.memory_space<hbm>>) target(%arg8 : memref<8192xi32, #tpu.memory_space<vmem>>) target_semaphore(%run_scoped3A : memref<!tpu.dma_semaphore, #tpu.memory_space<semaphore_mem>>)
      %dma_wait3A_87 = tpu.memref_slice %arg4[%mul3A_2] : memref<262144xi32, #tpu.memory_space<hbm>> -> memref<8192xi32, #tpu.memory_space<hbm>>
      %dma_wait3A_88 = tpu.memref_slice %arg4[%mul3A_2] : memref<262144xi32, #tpu.memory_space<hbm>> -> memref<8192xi32, #tpu.memory_space<hbm>>
      tpu.wait_dma2 semaphore(%run_scoped3A : memref<!tpu.dma_semaphore, #tpu.memory_space<semaphore_mem>>) src(%dma_wait3A_88 : memref<8192xi32, #tpu.memory_space<hbm>>) dst(%arg8 : memref<8192xi32, #tpu.memory_space<vmem>>)
      tpu.yield
    }) : () -> ()
    "tpu.region"() ({
      %run_scoped3A = tpu.sem_alloc : memref<!tpu.dma_semaphore, #tpu.memory_space<semaphore_mem>>
      %dma_start3A_85 = tpu.memref_slice %arg5[%mul3A_2] : memref<262144xi32, #tpu.memory_space<hbm>> -> memref<8192xi32, #tpu.memory_space<hbm>>
      %dma_start3A_86 = tpu.memref_slice %arg5[%mul3A_2] : memref<262144xi32, #tpu.memory_space<hbm>> -> memref<8192xi32, #tpu.memory_space<hbm>>
      tpu.enqueue_dma source(%dma_start3A_86 : memref<8192xi32, #tpu.memory_space<hbm>>) target(%arg9 : memref<8192xi32, #tpu.memory_space<vmem>>) target_semaphore(%run_scoped3A : memref<!tpu.dma_semaphore, #tpu.memory_space<semaphore_mem>>)
      %dma_wait3A_87 = tpu.memref_slice %arg5[%mul3A_2] : memref<262144xi32, #tpu.memory_space<hbm>> -> memref<8192xi32, #tpu.memory_space<hbm>>
      %dma_wait3A_88 = tpu.memref_slice %arg5[%mul3A_2] : memref<262144xi32, #tpu.memory_space<hbm>> -> memref<8192xi32, #tpu.memory_space<hbm>>
      tpu.wait_dma2 semaphore(%run_scoped3A : memref<!tpu.dma_semaphore, #tpu.memory_space<semaphore_mem>>) src(%dma_wait3A_88 : memref<8192xi32, #tpu.memory_space<hbm>>) dst(%arg9 : memref<8192xi32, #tpu.memory_space<vmem>>)
      tpu.yield
    }) : () -> ()
    "tpu.region"() ({
      %run_scoped3A = tpu.sem_alloc : memref<!tpu.dma_semaphore, #tpu.memory_space<semaphore_mem>>
      tpu.enqueue_dma source(%arg6 : memref<32x128xi32, #tpu.memory_space<hbm>>) target(%arg10 : memref<32x128xi32, #tpu.memory_space<vmem>>) target_semaphore(%run_scoped3A : memref<!tpu.dma_semaphore, #tpu.memory_space<semaphore_mem>>)
      tpu.wait_dma2 semaphore(%run_scoped3A : memref<!tpu.dma_semaphore, #tpu.memory_space<semaphore_mem>>) src(%arg6 : memref<32x128xi32, #tpu.memory_space<hbm>>) dst(%arg10 : memref<32x128xi32, #tpu.memory_space<vmem>>)
      tpu.yield
    }) : () -> ()
    %gather3A = tpu.vector_load_idx %arg10[%iota3A, %broadcast_in_dim3A_3] : memref<32x128xi32, #tpu.memory_space<vmem>>[vector<16xi32>, vector<16xi32>], vector<16xi32>,
    %add3A_4 = arith.constant 16 : i32
    %add3A_5 = vector.broadcast %add3A_4 : i32 to vector<16xi32>
    %add3A_6 = arith.addi %iota3A, %add3A_5 : vector<16xi32>
    %gather3A_7 = tpu.vector_load_idx %arg10[%add3A_6, %broadcast_in_dim3A_3] : memref<32x128xi32, #tpu.memory_space<vmem>>[vector<16xi32>, vector<16xi32>], vector<16xi32>,
    %broadcast_in_dim3A_8 = arith.constant 0 : i32
    %broadcast_in_dim3A_9 = vector.broadcast %broadcast_in_dim3A_8 : i32 to vector<16xi32>
    %lt3A = vector.broadcast %add3A : i32 to vector<16xi32>
    %lt3A_10 = arith.cmpi slt, %iota3A, %lt3A : vector<16xi32>
    %select_n3A = arith.select %lt3A_10, %gather3A, %broadcast_in_dim3A_9 : vector<16xi1>, vector<16xi32>
    %reduce_sum3A = arith.constant true
    %reduce_sum3A_11 = vector.broadcast %reduce_sum3A : i1 to vector<16xi1>
    %reduce_sum3A_12 = tpu.scan <sum>, %select_n3A masked %reduce_sum3A_11 : vector<16xi32>, vector<16xi1> -> vector<16xi32>
    %reduce_sum3A_13 = vector.extract %reduce_sum3A_12[15] : i32 from vector<16xi32>
    %add3A_14 = arith.constant 16 : i32
    %add3A_15 = vector.broadcast %add3A_14 : i32 to vector<16xi32>
    %add3A_16 = arith.addi %iota3A, %add3A_15 : vector<16xi32>
    %lt3A_17 = vector.broadcast %add3A : i32 to vector<16xi32>
    %lt3A_18 = arith.cmpi slt, %add3A_16, %lt3A_17 : vector<16xi32>
    %select_n3A_19 = arith.select %lt3A_18, %gather3A_7, %broadcast_in_dim3A_9 : vector<16xi1>, vector<16xi32>
    %reduce_sum3A_20 = arith.constant true
    %reduce_sum3A_21 = vector.broadcast %reduce_sum3A_20 : i1 to vector<16xi1>
    %reduce_sum3A_22 = tpu.scan <sum>, %select_n3A_19 masked %reduce_sum3A_21 : vector<16xi32>, vector<16xi1> -> vector<16xi32>
    %reduce_sum3A_23 = vector.extract %reduce_sum3A_22[15] : i32 from vector<16xi32>
    %add3A_24 = arith.addi %reduce_sum3A_13, %reduce_sum3A_23 : i32
    %reduce_sum3A_25 = arith.constant true
    %reduce_sum3A_26 = vector.broadcast %reduce_sum3A_25 : i1 to vector<16xi1>
    %reduce_sum3A_27 = tpu.scan <sum>, %gather3A masked %reduce_sum3A_26 : vector<16xi32>, vector<16xi1> -> vector<16xi32>
    %reduce_sum3A_28 = vector.extract %reduce_sum3A_27[15] : i32 from vector<16xi32>
    %reduce_sum3A_29 = arith.constant true
    %reduce_sum3A_30 = vector.broadcast %reduce_sum3A_29 : i1 to vector<16xi1>
    %reduce_sum3A_31 = tpu.scan <sum>, %gather3A_7 masked %reduce_sum3A_30 : vector<16xi32>, vector<16xi1> -> vector<16xi32>
    %reduce_sum3A_32 = vector.extract %reduce_sum3A_31[15] : i32 from vector<16xi32>
    %add3A_33 = arith.addi %reduce_sum3A_28, %reduce_sum3A_32 : i32
    %scan3A = arith.constant 0 : i32
    %scan3A_34 = arith.constant 512 : i32
    %scan3A_35 = arith.addi %scan3A, %scan3A_34 : i32
    %scan3A_36 = arith.constant 1 : i32
    scf.for %scan3A_85 = %scan3A to %scan3A_35 step %scan3A_36  : i32 {
      %mul3A_86 = arith.constant 1 : i32
      %mul3A_87 = arith.muli %scan3A_85, %mul3A_86 : i32
      %add3A_88 = arith.constant 0 : i32
      %add3A_89 = arith.addi %add3A_88, %mul3A_87 : i32
      %mul3A_90 = arith.constant 16 : i32
      %mul3A_91 = arith.muli %add3A_89, %mul3A_90 : i32
      %get3A = arith.index_cast %mul3A_91 : i32 to index
      %get3A_92 = tpu.vector_load %arg8[%get3A] {strides = array<i32>} : memref<8192xi32, #tpu.memory_space<vmem>>, vector<16xi32>,
      %mul3A_93 = arith.constant 16 : i32
      %mul3A_94 = arith.muli %add3A_89, %mul3A_93 : i32
      %get3A_95 = arith.index_cast %mul3A_94 : i32 to index
      %get3A_96 = tpu.vector_load %arg9[%get3A_95] {strides = array<i32>} : memref<8192xi32, #tpu.memory_space<vmem>>, vector<16xi32>,
      %add3A_97 = vector.broadcast %add3A_24 : i32 to vector<16xi32>
      %add3A_98 = arith.addi %get3A_96, %add3A_97 : vector<16xi32>
      %mul3A_99 = arith.constant 16 : i32
      %mul3A_100 = arith.muli %add3A_89, %mul3A_99 : i32
      %add3A_101 = arith.addi %mul3A_2, %mul3A_100 : i32
      %add3A_102 = vector.broadcast %add3A_101 : i32 to vector<16xi32>
      %add3A_103 = arith.addi %add3A_102, %iota3A : vector<16xi32>
      %eq3A = arith.constant 1 : i32
      %eq3A_104 = vector.broadcast %eq3A : i32 to vector<16xi32>
      %eq3A_105 = arith.cmpi eq, %get3A_92, %eq3A_104 : vector<16xi32>
      %sub3A = arith.constant 1 : i32
      %sub3A_106 = vector.broadcast %sub3A : i32 to vector<16xi32>
      %sub3A_107 = arith.subi %add3A_98, %sub3A_106 : vector<16xi32>
      %add3A_108 = vector.broadcast %add3A_33 : i32 to vector<16xi32>
      %add3A_109 = arith.addi %add3A_108, %add3A_103 : vector<16xi32>
      %sub3A_110 = arith.subi %add3A_109, %add3A_98 : vector<16xi32>
      %select_n3A_111 = arith.select %eq3A_105, %sub3A_107, %sub3A_110 : vector<16xi1>, vector<16xi32>
      %shift_right_arithmetic3A = arith.constant 3 : i32
      %shift_right_arithmetic3A_112 = arith.shrsi %add3A_89, %shift_right_arithmetic3A : i32
      %and3A = arith.constant 7 : i32
      %and3A_113 = arith.andi %add3A_89, %and3A : i32
      %mul3A_114 = arith.constant 16 : i32
      %mul3A_115 = arith.muli %and3A_113, %mul3A_114 : i32
      %swap3A = arith.index_cast %shift_right_arithmetic3A_112 : i32 to index
      %swap3A_116 = arith.index_cast %mul3A_115 : i32 to index
      %swap3A_117 = tpu.vector_load %arg11[%swap3A, %swap3A_116] {strides = array<i32>} : memref<64x128xi32, #tpu.memory_space<vmem>>, vector<16xi32>,
      tpu.vector_store %arg11[%swap3A, %swap3A_116], %select_n3A_111 {strides = array<i32>} : memref<64x128xi32, #tpu.memory_space<vmem>>, vector<16xi32>,
    }
    %scan3A_37 = arith.constant 512 : i32
    %mul3A_38 = arith.constant 64 : i32
    %mul3A_39 = arith.muli %add3A, %mul3A_38 : i32
    "tpu.region"() ({
      %run_scoped3A = tpu.sem_alloc : memref<!tpu.dma_semaphore, #tpu.memory_space<semaphore_mem>>
      %dma_start3A_85 = arith.constant 0 : i32
      %dma_start3A_86 = tpu.memref_slice %arg3[%mul3A_39, %dma_start3A_85] : memref<2048x128xi32, #tpu.memory_space<hbm>> -> memref<64x128xi32, #tpu.memory_space<hbm>>
      %dma_start3A_87 = arith.constant 0 : i32
      %dma_start3A_88 = tpu.memref_slice %arg3[%mul3A_39, %dma_start3A_87] : memref<2048x128xi32, #tpu.memory_space<hbm>> -> memref<64x128xi32, #tpu.memory_space<hbm>>
      tpu.enqueue_dma source(%dma_start3A_88 : memref<64x128xi32, #tpu.memory_space<hbm>>) target(%arg12 : memref<64x128xi32, #tpu.memory_space<vmem>>) target_semaphore(%run_scoped3A : memref<!tpu.dma_semaphore, #tpu.memory_space<semaphore_mem>>)
      %dma_wait3A_89 = arith.constant 0 : i32
      %dma_wait3A_90 = tpu.memref_slice %arg3[%mul3A_39, %dma_wait3A_89] : memref<2048x128xi32, #tpu.memory_space<hbm>> -> memref<64x128xi32, #tpu.memory_space<hbm>>
      %dma_wait3A_91 = arith.constant 0 : i32
      %dma_wait3A_92 = tpu.memref_slice %arg3[%mul3A_39, %dma_wait3A_91] : memref<2048x128xi32, #tpu.memory_space<hbm>> -> memref<64x128xi32, #tpu.memory_space<hbm>>
      tpu.wait_dma2 semaphore(%run_scoped3A : memref<!tpu.dma_semaphore, #tpu.memory_space<semaphore_mem>>) src(%dma_wait3A_92 : memref<64x128xi32, #tpu.memory_space<hbm>>) dst(%arg12 : memref<64x128xi32, #tpu.memory_space<vmem>>)
      tpu.yield
    }) : () -> ()
    %dma_start3A = arith.constant 0 : i32
    %dma_start3A_40 = arith.constant 0 : i32
    %dma_start3A_41 = tpu.memref_slice %arg12[%dma_start3A, %dma_start3A_40] : memref<64x128xi32, #tpu.memory_space<vmem>> -> memref<1x128xi32, #tpu.memory_space<vmem>>
    %dma_start3A_42 = tpu.memref_squeeze %dma_start3A_41 : memref<1x128xi32, #tpu.memory_space<vmem>> -> memref<128xi32, #tpu.memory_space<vmem>>
    %dma_start3A_43 = arith.constant 0 : i32
    %dma_start3A_44 = arith.constant 0 : i32
    %dma_start3A_45 = tpu.memref_slice %arg2[%dma_start3A_43, %dma_start3A_44] : memref<65536x128xf32, #tpu.memory_space<hbm>> -> memref<65536x128xf32, #tpu.memory_space<hbm>>
    tpu.enqueue_indirect_dma source(%dma_start3A_45 : memref<65536x128xf32, #tpu.memory_space<hbm>>) target(%arg13 : memref<128x128xf32, #tpu.memory_space<vmem>>) offsets(%dma_start3A_42 : memref<128xi32, #tpu.memory_space<vmem>>) semaphore(%arg17 : memref<!tpu.dma_semaphore, #tpu.memory_space<semaphore_mem>>)
    %dma_start3A_46 = arith.constant 1 : i32
    %dma_start3A_47 = arith.constant 0 : i32
    %dma_start3A_48 = tpu.memref_slice %arg12[%dma_start3A_46, %dma_start3A_47] : memref<64x128xi32, #tpu.memory_space<vmem>> -> memref<1x128xi32, #tpu.memory_space<vmem>>
    %dma_start3A_49 = tpu.memref_squeeze %dma_start3A_48 : memref<1x128xi32, #tpu.memory_space<vmem>> -> memref<128xi32, #tpu.memory_space<vmem>>
    %dma_start3A_50 = arith.constant 0 : i32
    %dma_start3A_51 = arith.constant 0 : i32
    %dma_start3A_52 = tpu.memref_slice %arg2[%dma_start3A_50, %dma_start3A_51] : memref<65536x128xf32, #tpu.memory_space<hbm>> -> memref<65536x128xf32, #tpu.memory_space<hbm>>
    tpu.enqueue_indirect_dma source(%dma_start3A_52 : memref<65536x128xf32, #tpu.memory_space<hbm>>) target(%arg14 : memref<128x128xf32, #tpu.memory_space<vmem>>) offsets(%dma_start3A_49 : memref<128xi32, #tpu.memory_space<vmem>>) semaphore(%arg18 : memref<!tpu.dma_semaphore, #tpu.memory_space<semaphore_mem>>)
    %scan3A_53 = arith.constant 0 : i32
    %scan3A_54 = arith.constant 16 : i32
    %scan3A_55 = arith.addi %scan3A_53, %scan3A_54 : i32
    %scan3A_56 = arith.constant 1 : i32
    scf.for %scan3A_85 = %scan3A_53 to %scan3A_55 step %scan3A_56  : i32 {
      %mul3A_86 = arith.constant 4 : i32
      %mul3A_87 = arith.muli %scan3A_85, %mul3A_86 : i32
      %add3A_88 = arith.constant 0 : i32
      %add3A_89 = arith.addi %add3A_88, %mul3A_87 : i32
      %add3A_90 = arith.constant 0 : i32
      %add3A_91 = arith.addi %add3A_89, %add3A_90 : i32
      %ge3A = arith.constant 2 : i32
      %ge3A_92 = arith.cmpi sge, %add3A_91, %ge3A : i32
      %add3A_93 = arith.constant 2 : i32
      %add3A_94 = arith.addi %add3A_91, %add3A_93 : i32
      %lt3A_95 = arith.constant 64 : i32
      %lt3A_96 = arith.cmpi slt, %add3A_94, %lt3A_95 : i32
      %and3A = arith.andi %ge3A_92, %lt3A_96 : i1
      %convert_element_type3A = arith.extui %and3A : i1 to i32
      %cond3A = arith.constant 0 : i32
      %cond3A_97 = arith.cmpi ne, %convert_element_type3A, %cond3A : i32
      scf.if %cond3A_97 {
        %dma_wait3A_214 = arith.constant 0 : i32
        %dma_wait3A_215 = arith.constant 0 : i32
        %dma_wait3A_216 = tpu.memref_slice %arg11[%dma_wait3A_214, %dma_wait3A_215] : memref<64x128xi32, #tpu.memory_space<vmem>> -> memref<1x128xi32, #tpu.memory_space<vmem>>
        %dma_wait3A_217 = tpu.memref_squeeze %dma_wait3A_216 : memref<1x128xi32, #tpu.memory_space<vmem>> -> memref<128xi32, #tpu.memory_space<vmem>>
        %dma_wait3A_218 = arith.constant 0 : i32
        %dma_wait3A_219 = arith.constant 0 : i32
        %dma_wait3A_220 = tpu.memref_slice %arg7[%dma_wait3A_218, %dma_wait3A_219] : memref<262144x128xf32, #tpu.memory_space<hbm>> -> memref<262144x128xf32, #tpu.memory_space<hbm>>
        tpu.wait_indirect_dma semaphore(%arg23 : memref<!tpu.dma_semaphore, #tpu.memory_space<semaphore_mem>>) src(%arg15 : memref<128x128xf32, #tpu.memory_space<vmem>>) dst(%dma_wait3A_220 : memref<262144x128xf32, #tpu.memory_space<hbm>>)
      } else {
      }
      %add3A_98 = arith.constant 2 : i32
      %add3A_99 = arith.addi %add3A_91, %add3A_98 : i32
      %lt3A_100 = arith.constant 64 : i32
      %lt3A_101 = arith.cmpi slt, %add3A_99, %lt3A_100 : i32
      %convert_element_type3A_102 = arith.extui %lt3A_101 : i1 to i32
      %cond3A_103 = arith.constant 0 : i32
      %cond3A_104 = arith.cmpi ne, %convert_element_type3A_102, %cond3A_103 : i32
      scf.if %cond3A_104 {
        %add3A_214 = arith.constant 2 : i32
        %add3A_215 = arith.addi %add3A_91, %add3A_214 : i32
        %dma_start3A_216 = arith.constant 0 : i32
        %dma_start3A_217 = tpu.memref_slice %arg12[%add3A_215, %dma_start3A_216] : memref<64x128xi32, #tpu.memory_space<vmem>> -> memref<1x128xi32, #tpu.memory_space<vmem>>
        %dma_start3A_218 = tpu.memref_squeeze %dma_start3A_217 : memref<1x128xi32, #tpu.memory_space<vmem>> -> memref<128xi32, #tpu.memory_space<vmem>>
        %dma_start3A_219 = arith.constant 0 : i32
        %dma_start3A_220 = arith.constant 0 : i32
        %dma_start3A_221 = tpu.memref_slice %arg2[%dma_start3A_219, %dma_start3A_220] : memref<65536x128xf32, #tpu.memory_space<hbm>> -> memref<65536x128xf32, #tpu.memory_space<hbm>>
        tpu.enqueue_indirect_dma source(%dma_start3A_221 : memref<65536x128xf32, #tpu.memory_space<hbm>>) target(%arg15 : memref<128x128xf32, #tpu.memory_space<vmem>>) offsets(%dma_start3A_218 : memref<128xi32, #tpu.memory_space<vmem>>) semaphore(%arg19 : memref<!tpu.dma_semaphore, #tpu.memory_space<semaphore_mem>>)
      } else {
      }
      %dma_wait3A_105 = arith.constant 0 : i32
      %dma_wait3A_106 = arith.constant 0 : i32
      %dma_wait3A_107 = tpu.memref_slice %arg12[%dma_wait3A_105, %dma_wait3A_106] : memref<64x128xi32, #tpu.memory_space<vmem>> -> memref<1x128xi32, #tpu.memory_space<vmem>>
      %dma_wait3A_108 = tpu.memref_squeeze %dma_wait3A_107 : memref<1x128xi32, #tpu.memory_space<vmem>> -> memref<128xi32, #tpu.memory_space<vmem>>
      %dma_wait3A_109 = arith.constant 0 : i32
      %dma_wait3A_110 = arith.constant 0 : i32
      %dma_wait3A_111 = tpu.memref_slice %arg2[%dma_wait3A_109, %dma_wait3A_110] : memref<65536x128xf32, #tpu.memory_space<hbm>> -> memref<65536x128xf32, #tpu.memory_space<hbm>>
      tpu.wait_indirect_dma semaphore(%arg17 : memref<!tpu.dma_semaphore, #tpu.memory_space<semaphore_mem>>) src(%dma_wait3A_111 : memref<65536x128xf32, #tpu.memory_space<hbm>>) dst(%arg13 : memref<128x128xf32, #tpu.memory_space<vmem>>)
      %dma_start3A_112 = arith.constant 0 : i32
      %dma_start3A_113 = tpu.memref_slice %arg11[%add3A_91, %dma_start3A_112] : memref<64x128xi32, #tpu.memory_space<vmem>> -> memref<1x128xi32, #tpu.memory_space<vmem>>
      %dma_start3A_114 = tpu.memref_squeeze %dma_start3A_113 : memref<1x128xi32, #tpu.memory_space<vmem>> -> memref<128xi32, #tpu.memory_space<vmem>>
      %dma_start3A_115 = arith.constant 0 : i32
      %dma_start3A_116 = arith.constant 0 : i32
      %dma_start3A_117 = tpu.memref_slice %arg7[%dma_start3A_115, %dma_start3A_116] : memref<262144x128xf32, #tpu.memory_space<hbm>> -> memref<262144x128xf32, #tpu.memory_space<hbm>>
      tpu.enqueue_indirect_dma source(%arg13 : memref<128x128xf32, #tpu.memory_space<vmem>>) target(%dma_start3A_117 : memref<262144x128xf32, #tpu.memory_space<hbm>>) offsets(%dma_start3A_114 : memref<128xi32, #tpu.memory_space<vmem>>) semaphore(%arg21 : memref<!tpu.dma_semaphore, #tpu.memory_space<semaphore_mem>>)
      %add3A_118 = arith.constant 1 : i32
      %add3A_119 = arith.addi %add3A_89, %add3A_118 : i32
      %ge3A_120 = arith.constant 2 : i32
      %ge3A_121 = arith.cmpi sge, %add3A_119, %ge3A_120 : i32
      %add3A_122 = arith.constant 2 : i32
      %add3A_123 = arith.addi %add3A_119, %add3A_122 : i32
      %lt3A_124 = arith.constant 64 : i32
      %lt3A_125 = arith.cmpi slt, %add3A_123, %lt3A_124 : i32
      %and3A_126 = arith.andi %ge3A_121, %lt3A_125 : i1
      %convert_element_type3A_127 = arith.extui %and3A_126 : i1 to i32
      %cond3A_128 = arith.constant 0 : i32
      %cond3A_129 = arith.cmpi ne, %convert_element_type3A_127, %cond3A_128 : i32
      scf.if %cond3A_129 {
        %dma_wait3A_214 = arith.constant 0 : i32
        %dma_wait3A_215 = arith.constant 0 : i32
        %dma_wait3A_216 = tpu.memref_slice %arg11[%dma_wait3A_214, %dma_wait3A_215] : memref<64x128xi32, #tpu.memory_space<vmem>> -> memref<1x128xi32, #tpu.memory_space<vmem>>
        %dma_wait3A_217 = tpu.memref_squeeze %dma_wait3A_216 : memref<1x128xi32, #tpu.memory_space<vmem>> -> memref<128xi32, #tpu.memory_space<vmem>>
        %dma_wait3A_218 = arith.constant 0 : i32
        %dma_wait3A_219 = arith.constant 0 : i32
        %dma_wait3A_220 = tpu.memref_slice %arg7[%dma_wait3A_218, %dma_wait3A_219] : memref<262144x128xf32, #tpu.memory_space<hbm>> -> memref<262144x128xf32, #tpu.memory_space<hbm>>
        tpu.wait_indirect_dma semaphore(%arg24 : memref<!tpu.dma_semaphore, #tpu.memory_space<semaphore_mem>>) src(%arg16 : memref<128x128xf32, #tpu.memory_space<vmem>>) dst(%dma_wait3A_220 : memref<262144x128xf32, #tpu.memory_space<hbm>>)
      } else {
      }
      %add3A_130 = arith.constant 2 : i32
      %add3A_131 = arith.addi %add3A_119, %add3A_130 : i32
      %lt3A_132 = arith.constant 64 : i32
      %lt3A_133 = arith.cmpi slt, %add3A_131, %lt3A_132 : i32
      %convert_element_type3A_134 = arith.extui %lt3A_133 : i1 to i32
      %cond3A_135 = arith.constant 0 : i32
      %cond3A_136 = arith.cmpi ne, %convert_element_type3A_134, %cond3A_135 : i32
      scf.if %cond3A_136 {
        %add3A_214 = arith.constant 2 : i32
        %add3A_215 = arith.addi %add3A_119, %add3A_214 : i32
        %dma_start3A_216 = arith.constant 0 : i32
        %dma_start3A_217 = tpu.memref_slice %arg12[%add3A_215, %dma_start3A_216] : memref<64x128xi32, #tpu.memory_space<vmem>> -> memref<1x128xi32, #tpu.memory_space<vmem>>
        %dma_start3A_218 = tpu.memref_squeeze %dma_start3A_217 : memref<1x128xi32, #tpu.memory_space<vmem>> -> memref<128xi32, #tpu.memory_space<vmem>>
        %dma_start3A_219 = arith.constant 0 : i32
        %dma_start3A_220 = arith.constant 0 : i32
        %dma_start3A_221 = tpu.memref_slice %arg2[%dma_start3A_219, %dma_start3A_220] : memref<65536x128xf32, #tpu.memory_space<hbm>> -> memref<65536x128xf32, #tpu.memory_space<hbm>>
        tpu.enqueue_indirect_dma source(%dma_start3A_221 : memref<65536x128xf32, #tpu.memory_space<hbm>>) target(%arg16 : memref<128x128xf32, #tpu.memory_space<vmem>>) offsets(%dma_start3A_218 : memref<128xi32, #tpu.memory_space<vmem>>) semaphore(%arg20 : memref<!tpu.dma_semaphore, #tpu.memory_space<semaphore_mem>>)
      } else {
      }
      %dma_wait3A_137 = arith.constant 0 : i32
      %dma_wait3A_138 = arith.constant 0 : i32
      %dma_wait3A_139 = tpu.memref_slice %arg12[%dma_wait3A_137, %dma_wait3A_138] : memref<64x128xi32, #tpu.memory_space<vmem>> -> memref<1x128xi32, #tpu.memory_space<vmem>>
      %dma_wait3A_140 = tpu.memref_squeeze %dma_wait3A_139 : memref<1x128xi32, #tpu.memory_space<vmem>> -> memref<128xi32, #tpu.memory_space<vmem>>
      %dma_wait3A_141 = arith.constant 0 : i32
      %dma_wait3A_142 = arith.constant 0 : i32
      %dma_wait3A_143 = tpu.memref_slice %arg2[%dma_wait3A_141, %dma_wait3A_142] : memref<65536x128xf32, #tpu.memory_space<hbm>> -> memref<65536x128xf32, #tpu.memory_space<hbm>>
      tpu.wait_indirect_dma semaphore(%arg18 : memref<!tpu.dma_semaphore, #tpu.memory_space<semaphore_mem>>) src(%dma_wait3A_143 : memref<65536x128xf32, #tpu.memory_space<hbm>>) dst(%arg14 : memref<128x128xf32, #tpu.memory_space<vmem>>)
      %dma_start3A_144 = arith.constant 0 : i32
      %dma_start3A_145 = tpu.memref_slice %arg11[%add3A_119, %dma_start3A_144] : memref<64x128xi32, #tpu.memory_space<vmem>> -> memref<1x128xi32, #tpu.memory_space<vmem>>
      %dma_start3A_146 = tpu.memref_squeeze %dma_start3A_145 : memref<1x128xi32, #tpu.memory_space<vmem>> -> memref<128xi32, #tpu.memory_space<vmem>>
      %dma_start3A_147 = arith.constant 0 : i32
      %dma_start3A_148 = arith.constant 0 : i32
      %dma_start3A_149 = tpu.memref_slice %arg7[%dma_start3A_147, %dma_start3A_148] : memref<262144x128xf32, #tpu.memory_space<hbm>> -> memref<262144x128xf32, #tpu.memory_space<hbm>>
      tpu.enqueue_indirect_dma source(%arg14 : memref<128x128xf32, #tpu.memory_space<vmem>>) target(%dma_start3A_149 : memref<262144x128xf32, #tpu.memory_space<hbm>>) offsets(%dma_start3A_146 : memref<128xi32, #tpu.memory_space<vmem>>) semaphore(%arg22 : memref<!tpu.dma_semaphore, #tpu.memory_space<semaphore_mem>>)
      %add3A_150 = arith.constant 2 : i32
      %add3A_151 = arith.addi %add3A_89, %add3A_150 : i32
      %ge3A_152 = arith.constant 2 : i32
      %ge3A_153 = arith.cmpi sge, %add3A_151, %ge3A_152 : i32
      %add3A_154 = arith.constant 2 : i32
      %add3A_155 = arith.addi %add3A_151, %add3A_154 : i32
      %lt3A_156 = arith.constant 64 : i32
      %lt3A_157 = arith.cmpi slt, %add3A_155, %lt3A_156 : i32
      %and3A_158 = arith.andi %ge3A_153, %lt3A_157 : i1
      %convert_element_type3A_159 = arith.extui %and3A_158 : i1 to i32
      %cond3A_160 = arith.constant 0 : i32
      %cond3A_161 = arith.cmpi ne, %convert_element_type3A_159, %cond3A_160 : i32
      scf.if %cond3A_161 {
        %dma_wait3A_214 = arith.constant 0 : i32
        %dma_wait3A_215 = arith.constant 0 : i32
        %dma_wait3A_216 = tpu.memref_slice %arg11[%dma_wait3A_214, %dma_wait3A_215] : memref<64x128xi32, #tpu.memory_space<vmem>> -> memref<1x128xi32, #tpu.memory_space<vmem>>
        %dma_wait3A_217 = tpu.memref_squeeze %dma_wait3A_216 : memref<1x128xi32, #tpu.memory_space<vmem>> -> memref<128xi32, #tpu.memory_space<vmem>>
        %dma_wait3A_218 = arith.constant 0 : i32
        %dma_wait3A_219 = arith.constant 0 : i32
        %dma_wait3A_220 = tpu.memref_slice %arg7[%dma_wait3A_218, %dma_wait3A_219] : memref<262144x128xf32, #tpu.memory_space<hbm>> -> memref<262144x128xf32, #tpu.memory_space<hbm>>
        tpu.wait_indirect_dma semaphore(%arg21 : memref<!tpu.dma_semaphore, #tpu.memory_space<semaphore_mem>>) src(%arg13 : memref<128x128xf32, #tpu.memory_space<vmem>>) dst(%dma_wait3A_220 : memref<262144x128xf32, #tpu.memory_space<hbm>>)
      } else {
      }
      %add3A_162 = arith.constant 2 : i32
      %add3A_163 = arith.addi %add3A_151, %add3A_162 : i32
      %lt3A_164 = arith.constant 64 : i32
      %lt3A_165 = arith.cmpi slt, %add3A_163, %lt3A_164 : i32
      %convert_element_type3A_166 = arith.extui %lt3A_165 : i1 to i32
      %cond3A_167 = arith.constant 0 : i32
      %cond3A_168 = arith.cmpi ne, %convert_element_type3A_166, %cond3A_167 : i32
      scf.if %cond3A_168 {
        %add3A_214 = arith.constant 2 : i32
        %add3A_215 = arith.addi %add3A_151, %add3A_214 : i32
        %dma_start3A_216 = arith.constant 0 : i32
        %dma_start3A_217 = tpu.memref_slice %arg12[%add3A_215, %dma_start3A_216] : memref<64x128xi32, #tpu.memory_space<vmem>> -> memref<1x128xi32, #tpu.memory_space<vmem>>
        %dma_start3A_218 = tpu.memref_squeeze %dma_start3A_217 : memref<1x128xi32, #tpu.memory_space<vmem>> -> memref<128xi32, #tpu.memory_space<vmem>>
        %dma_start3A_219 = arith.constant 0 : i32
        %dma_start3A_220 = arith.constant 0 : i32
        %dma_start3A_221 = tpu.memref_slice %arg2[%dma_start3A_219, %dma_start3A_220] : memref<65536x128xf32, #tpu.memory_space<hbm>> -> memref<65536x128xf32, #tpu.memory_space<hbm>>
        tpu.enqueue_indirect_dma source(%dma_start3A_221 : memref<65536x128xf32, #tpu.memory_space<hbm>>) target(%arg13 : memref<128x128xf32, #tpu.memory_space<vmem>>) offsets(%dma_start3A_218 : memref<128xi32, #tpu.memory_space<vmem>>) semaphore(%arg17 : memref<!tpu.dma_semaphore, #tpu.memory_space<semaphore_mem>>)
      } else {
      }
      %dma_wait3A_169 = arith.constant 0 : i32
      %dma_wait3A_170 = arith.constant 0 : i32
      %dma_wait3A_171 = tpu.memref_slice %arg12[%dma_wait3A_169, %dma_wait3A_170] : memref<64x128xi32, #tpu.memory_space<vmem>> -> memref<1x128xi32, #tpu.memory_space<vmem>>
      %dma_wait3A_172 = tpu.memref_squeeze %dma_wait3A_171 : memref<1x128xi32, #tpu.memory_space<vmem>> -> memref<128xi32, #tpu.memory_space<vmem>>
      %dma_wait3A_173 = arith.constant 0 : i32
      %dma_wait3A_174 = arith.constant 0 : i32
      %dma_wait3A_175 = tpu.memref_slice %arg2[%dma_wait3A_173, %dma_wait3A_174] : memref<65536x128xf32, #tpu.memory_space<hbm>> -> memref<65536x128xf32, #tpu.memory_space<hbm>>
      tpu.wait_indirect_dma semaphore(%arg19 : memref<!tpu.dma_semaphore, #tpu.memory_space<semaphore_mem>>) src(%dma_wait3A_175 : memref<65536x128xf32, #tpu.memory_space<hbm>>) dst(%arg15 : memref<128x128xf32, #tpu.memory_space<vmem>>)
      %dma_start3A_176 = arith.constant 0 : i32
      %dma_start3A_177 = tpu.memref_slice %arg11[%add3A_151, %dma_start3A_176] : memref<64x128xi32, #tpu.memory_space<vmem>> -> memref<1x128xi32, #tpu.memory_space<vmem>>
      %dma_start3A_178 = tpu.memref_squeeze %dma_start3A_177 : memref<1x128xi32, #tpu.memory_space<vmem>> -> memref<128xi32, #tpu.memory_space<vmem>>
      %dma_start3A_179 = arith.constant 0 : i32
      %dma_start3A_180 = arith.constant 0 : i32
      %dma_start3A_181 = tpu.memref_slice %arg7[%dma_start3A_179, %dma_start3A_180] : memref<262144x128xf32, #tpu.memory_space<hbm>> -> memref<262144x128xf32, #tpu.memory_space<hbm>>
      tpu.enqueue_indirect_dma source(%arg15 : memref<128x128xf32, #tpu.memory_space<vmem>>) target(%dma_start3A_181 : memref<262144x128xf32, #tpu.memory_space<hbm>>) offsets(%dma_start3A_178 : memref<128xi32, #tpu.memory_space<vmem>>) semaphore(%arg23 : memref<!tpu.dma_semaphore, #tpu.memory_space<semaphore_mem>>)
      %add3A_182 = arith.constant 3 : i32
      %add3A_183 = arith.addi %add3A_89, %add3A_182 : i32
      %ge3A_184 = arith.constant 2 : i32
      %ge3A_185 = arith.cmpi sge, %add3A_183, %ge3A_184 : i32
      %add3A_186 = arith.constant 2 : i32
      %add3A_187 = arith.addi %add3A_183, %add3A_186 : i32
      %lt3A_188 = arith.constant 64 : i32
      %lt3A_189 = arith.cmpi slt, %add3A_187, %lt3A_188 : i32
      %and3A_190 = arith.andi %ge3A_185, %lt3A_189 : i1
      %convert_element_type3A_191 = arith.extui %and3A_190 : i1 to i32
      %cond3A_192 = arith.constant 0 : i32
      %cond3A_193 = arith.cmpi ne, %convert_element_type3A_191, %cond3A_192 : i32
      scf.if %cond3A_193 {
        %dma_wait3A_214 = arith.constant 0 : i32
        %dma_wait3A_215 = arith.constant 0 : i32
        %dma_wait3A_216 = tpu.memref_slice %arg11[%dma_wait3A_214, %dma_wait3A_215] : memref<64x128xi32, #tpu.memory_space<vmem>> -> memref<1x128xi32, #tpu.memory_space<vmem>>
        %dma_wait3A_217 = tpu.memref_squeeze %dma_wait3A_216 : memref<1x128xi32, #tpu.memory_space<vmem>> -> memref<128xi32, #tpu.memory_space<vmem>>
        %dma_wait3A_218 = arith.constant 0 : i32
        %dma_wait3A_219 = arith.constant 0 : i32
        %dma_wait3A_220 = tpu.memref_slice %arg7[%dma_wait3A_218, %dma_wait3A_219] : memref<262144x128xf32, #tpu.memory_space<hbm>> -> memref<262144x128xf32, #tpu.memory_space<hbm>>
        tpu.wait_indirect_dma semaphore(%arg22 : memref<!tpu.dma_semaphore, #tpu.memory_space<semaphore_mem>>) src(%arg14 : memref<128x128xf32, #tpu.memory_space<vmem>>) dst(%dma_wait3A_220 : memref<262144x128xf32, #tpu.memory_space<hbm>>)
      } else {
      }
      %add3A_194 = arith.constant 2 : i32
      %add3A_195 = arith.addi %add3A_183, %add3A_194 : i32
      %lt3A_196 = arith.constant 64 : i32
      %lt3A_197 = arith.cmpi slt, %add3A_195, %lt3A_196 : i32
      %convert_element_type3A_198 = arith.extui %lt3A_197 : i1 to i32
      %cond3A_199 = arith.constant 0 : i32
      %cond3A_200 = arith.cmpi ne, %convert_element_type3A_198, %cond3A_199 : i32
      scf.if %cond3A_200 {
        %add3A_214 = arith.constant 2 : i32
        %add3A_215 = arith.addi %add3A_183, %add3A_214 : i32
        %dma_start3A_216 = arith.constant 0 : i32
        %dma_start3A_217 = tpu.memref_slice %arg12[%add3A_215, %dma_start3A_216] : memref<64x128xi32, #tpu.memory_space<vmem>> -> memref<1x128xi32, #tpu.memory_space<vmem>>
        %dma_start3A_218 = tpu.memref_squeeze %dma_start3A_217 : memref<1x128xi32, #tpu.memory_space<vmem>> -> memref<128xi32, #tpu.memory_space<vmem>>
        %dma_start3A_219 = arith.constant 0 : i32
        %dma_start3A_220 = arith.constant 0 : i32
        %dma_start3A_221 = tpu.memref_slice %arg2[%dma_start3A_219, %dma_start3A_220] : memref<65536x128xf32, #tpu.memory_space<hbm>> -> memref<65536x128xf32, #tpu.memory_space<hbm>>
        tpu.enqueue_indirect_dma source(%dma_start3A_221 : memref<65536x128xf32, #tpu.memory_space<hbm>>) target(%arg14 : memref<128x128xf32, #tpu.memory_space<vmem>>) offsets(%dma_start3A_218 : memref<128xi32, #tpu.memory_space<vmem>>) semaphore(%arg18 : memref<!tpu.dma_semaphore, #tpu.memory_space<semaphore_mem>>)
      } else {
      }
      %dma_wait3A_201 = arith.constant 0 : i32
      %dma_wait3A_202 = arith.constant 0 : i32
      %dma_wait3A_203 = tpu.memref_slice %arg12[%dma_wait3A_201, %dma_wait3A_202] : memref<64x128xi32, #tpu.memory_space<vmem>> -> memref<1x128xi32, #tpu.memory_space<vmem>>
      %dma_wait3A_204 = tpu.memref_squeeze %dma_wait3A_203 : memref<1x128xi32, #tpu.memory_space<vmem>> -> memref<128xi32, #tpu.memory_space<vmem>>
      %dma_wait3A_205 = arith.constant 0 : i32
      %dma_wait3A_206 = arith.constant 0 : i32
      %dma_wait3A_207 = tpu.memref_slice %arg2[%dma_wait3A_205, %dma_wait3A_206] : memref<65536x128xf32, #tpu.memory_space<hbm>> -> memref<65536x128xf32, #tpu.memory_space<hbm>>
      tpu.wait_indirect_dma semaphore(%arg20 : memref<!tpu.dma_semaphore, #tpu.memory_space<semaphore_mem>>) src(%dma_wait3A_207 : memref<65536x128xf32, #tpu.memory_space<hbm>>) dst(%arg16 : memref<128x128xf32, #tpu.memory_space<vmem>>)
      %dma_start3A_208 = arith.constant 0 : i32
      %dma_start3A_209 = tpu.memref_slice %arg11[%add3A_183, %dma_start3A_208] : memref<64x128xi32, #tpu.memory_space<vmem>> -> memref<1x128xi32, #tpu.memory_space<vmem>>
      %dma_start3A_210 = tpu.memref_squeeze %dma_start3A_209 : memref<1x128xi32, #tpu.memory_space<vmem>> -> memref<128xi32, #tpu.memory_space<vmem>>
      %dma_start3A_211 = arith.constant 0 : i32
      %dma_start3A_212 = arith.constant 0 : i32
      %dma_start3A_213 = tpu.memref_slice %arg7[%dma_start3A_211, %dma_start3A_212] : memref<262144x128xf32, #tpu.memory_space<hbm>> -> memref<262144x128xf32, #tpu.memory_space<hbm>>
      tpu.enqueue_indirect_dma source(%arg16 : memref<128x128xf32, #tpu.memory_space<vmem>>) target(%dma_start3A_213 : memref<262144x128xf32, #tpu.memory_space<hbm>>) offsets(%dma_start3A_210 : memref<128xi32, #tpu.memory_space<vmem>>) semaphore(%arg24 : memref<!tpu.dma_semaphore, #tpu.memory_space<semaphore_mem>>)
    }
    %scan3A_57 = arith.constant 16 : i32
    %dma_wait3A = arith.constant 0 : i32
    %dma_wait3A_58 = arith.constant 0 : i32
    %dma_wait3A_59 = tpu.memref_slice %arg11[%dma_wait3A, %dma_wait3A_58] : memref<64x128xi32, #tpu.memory_space<vmem>> -> memref<1x128xi32, #tpu.memory_space<vmem>>
    %dma_wait3A_60 = tpu.memref_squeeze %dma_wait3A_59 : memref<1x128xi32, #tpu.memory_space<vmem>> -> memref<128xi32, #tpu.memory_space<vmem>>
    %dma_wait3A_61 = arith.constant 0 : i32
    %dma_wait3A_62 = arith.constant 0 : i32
    %dma_wait3A_63 = tpu.memref_slice %arg7[%dma_wait3A_61, %dma_wait3A_62] : memref<262144x128xf32, #tpu.memory_space<hbm>> -> memref<262144x128xf32, #tpu.memory_space<hbm>>
    tpu.wait_indirect_dma semaphore(%arg21 : memref<!tpu.dma_semaphore, #tpu.memory_space<semaphore_mem>>) src(%arg13 : memref<128x128xf32, #tpu.memory_space<vmem>>) dst(%dma_wait3A_63 : memref<262144x128xf32, #tpu.memory_space<hbm>>)
    %dma_wait3A_64 = arith.constant 0 : i32
    %dma_wait3A_65 = arith.constant 0 : i32
    %dma_wait3A_66 = tpu.memref_slice %arg11[%dma_wait3A_64, %dma_wait3A_65] : memref<64x128xi32, #tpu.memory_space<vmem>> -> memref<1x128xi32, #tpu.memory_space<vmem>>
    %dma_wait3A_67 = tpu.memref_squeeze %dma_wait3A_66 : memref<1x128xi32, #tpu.memory_space<vmem>> -> memref<128xi32, #tpu.memory_space<vmem>>
    %dma_wait3A_68 = arith.constant 0 : i32
    %dma_wait3A_69 = arith.constant 0 : i32
    %dma_wait3A_70 = tpu.memref_slice %arg7[%dma_wait3A_68, %dma_wait3A_69] : memref<262144x128xf32, #tpu.memory_space<hbm>> -> memref<262144x128xf32, #tpu.memory_space<hbm>>
    tpu.wait_indirect_dma semaphore(%arg22 : memref<!tpu.dma_semaphore, #tpu.memory_space<semaphore_mem>>) src(%arg14 : memref<128x128xf32, #tpu.memory_space<vmem>>) dst(%dma_wait3A_70 : memref<262144x128xf32, #tpu.memory_space<hbm>>)
    %dma_wait3A_71 = arith.constant 0 : i32
    %dma_wait3A_72 = arith.constant 0 : i32
    %dma_wait3A_73 = tpu.memref_slice %arg11[%dma_wait3A_71, %dma_wait3A_72] : memref<64x128xi32, #tpu.memory_space<vmem>> -> memref<1x128xi32, #tpu.memory_space<vmem>>
    %dma_wait3A_74 = tpu.memref_squeeze %dma_wait3A_73 : memref<1x128xi32, #tpu.memory_space<vmem>> -> memref<128xi32, #tpu.memory_space<vmem>>
    %dma_wait3A_75 = arith.constant 0 : i32
    %dma_wait3A_76 = arith.constant 0 : i32
    %dma_wait3A_77 = tpu.memref_slice %arg7[%dma_wait3A_75, %dma_wait3A_76] : memref<262144x128xf32, #tpu.memory_space<hbm>> -> memref<262144x128xf32, #tpu.memory_space<hbm>>
    tpu.wait_indirect_dma semaphore(%arg23 : memref<!tpu.dma_semaphore, #tpu.memory_space<semaphore_mem>>) src(%arg15 : memref<128x128xf32, #tpu.memory_space<vmem>>) dst(%dma_wait3A_77 : memref<262144x128xf32, #tpu.memory_space<hbm>>)
    %dma_wait3A_78 = arith.constant 0 : i32
    %dma_wait3A_79 = arith.constant 0 : i32
    %dma_wait3A_80 = tpu.memref_slice %arg11[%dma_wait3A_78, %dma_wait3A_79] : memref<64x128xi32, #tpu.memory_space<vmem>> -> memref<1x128xi32, #tpu.memory_space<vmem>>
    %dma_wait3A_81 = tpu.memref_squeeze %dma_wait3A_80 : memref<1x128xi32, #tpu.memory_space<vmem>> -> memref<128xi32, #tpu.memory_space<vmem>>
    %dma_wait3A_82 = arith.constant 0 : i32
    %dma_wait3A_83 = arith.constant 0 : i32
    %dma_wait3A_84 = tpu.memref_slice %arg7[%dma_wait3A_82, %dma_wait3A_83] : memref<262144x128xf32, #tpu.memory_space<hbm>> -> memref<262144x128xf32, #tpu.memory_space<hbm>>
    tpu.wait_indirect_dma semaphore(%arg24 : memref<!tpu.dma_semaphore, #tpu.memory_space<semaphore_mem>>) src(%arg16 : memref<128x128xf32, #tpu.memory_space<vmem>>) dst(%dma_wait3A_84 : memref<262144x128xf32, #tpu.memory_space<hbm>>)
    return
  }
}

#map = affine_map<(d0, d1) -> (0)>
#map1 = affine_map<(d0, d1) -> (0, 0)>
module attributes {stable_mosaic.version = 14 : i64} {
  func.func @_xyz_body(%arg0: i32, %arg1: i32, %arg2: memref<262144xi32, #tpu.memory_space<hbm>>, %arg3: memref<262144xi32, #tpu.memory_space<hbm>>, %arg4: memref<32x128xi32, #tpu.memory_space<hbm>>, %arg5: memref<262144xf32, #tpu.memory_space<hbm>>, %arg6: memref<262144xf32, #tpu.memory_space<hbm>>, %arg7: memref<262144xf32, #tpu.memory_space<hbm>>, %arg8: memref<262144xf32, #tpu.memory_space<hbm>>, %arg9: memref<262144xf32, #tpu.memory_space<hbm>>, %arg10: memref<262144xf32, #tpu.memory_space<hbm>>, %arg11: memref<262144x8xf32, #tpu.memory_space<hbm>>, %arg12: memref<8192xi32, #tpu.memory_space<vmem>>, %arg13: memref<8192xi32, #tpu.memory_space<vmem>>, %arg14: memref<32x128xi32, #tpu.memory_space<vmem>>, %arg15: memref<8192xi32, #tpu.memory_space<vmem>>, %arg16: memref<6x4096xf32, #tpu.memory_space<vmem>>, %arg17: memref<8192x8xf32, #tpu.memory_space<vmem>>, %arg18: memref<!tpu.dma_semaphore, #tpu.memory_space<semaphore_mem>>) attributes {dimension_semantics = [#tpu.dimension_semantics<core_parallel>, #tpu.dimension_semantics<subcore_parallel>], iteration_bounds = array<i64: 2, 16>, scalar_prefetch = 0 : i64, scratch_operands = 7 : i64, tpu.core_type = #tpu.core_type<sc_vector_subcore>, window_params = [{transform_indices = #map}, {transform_indices = #map}, {transform_indices = #map1}, {transform_indices = #map}, {transform_indices = #map}, {transform_indices = #map}, {transform_indices = #map}, {transform_indices = #map}, {transform_indices = #map}, {transform_indices = #map1}]} {
    %mul3A = arith.constant 16 : i32
    %mul3A_0 = arith.muli %arg0, %mul3A : i32
    %add3A = arith.addi %mul3A_0, %arg1 : i32
    %mul3A_1 = arith.constant 8192 : i32
    %mul3A_2 = arith.muli %add3A, %mul3A_1 : i32
    %iota3A = tpu.iota {dimensions = array<i32: 0>} : vector<16xi32>
    %broadcast_in_dim3A = arith.constant 0 : i32
    %broadcast_in_dim3A_3 = vector.broadcast %broadcast_in_dim3A : i32 to vector<16xi32>
    "tpu.region"() ({
      %run_scoped3A_90 = tpu.sem_alloc : memref<!tpu.dma_semaphore, #tpu.memory_space<semaphore_mem>>
      %dma_start3A_91 = tpu.memref_slice %arg2[%mul3A_2] : memref<262144xi32, #tpu.memory_space<hbm>> -> memref<8192xi32, #tpu.memory_space<hbm>>
      %dma_start3A_92 = tpu.memref_slice %arg2[%mul3A_2] : memref<262144xi32, #tpu.memory_space<hbm>> -> memref<8192xi32, #tpu.memory_space<hbm>>
      tpu.enqueue_dma source(%dma_start3A_92 : memref<8192xi32, #tpu.memory_space<hbm>>) target(%arg12 : memref<8192xi32, #tpu.memory_space<vmem>>) target_semaphore(%run_scoped3A_90 : memref<!tpu.dma_semaphore, #tpu.memory_space<semaphore_mem>>)
      %dma_wait3A_93 = tpu.memref_slice %arg2[%mul3A_2] : memref<262144xi32, #tpu.memory_space<hbm>> -> memref<8192xi32, #tpu.memory_space<hbm>>
      %dma_wait3A_94 = tpu.memref_slice %arg2[%mul3A_2] : memref<262144xi32, #tpu.memory_space<hbm>> -> memref<8192xi32, #tpu.memory_space<hbm>>
      tpu.wait_dma2 semaphore(%run_scoped3A_90 : memref<!tpu.dma_semaphore, #tpu.memory_space<semaphore_mem>>) src(%dma_wait3A_94 : memref<8192xi32, #tpu.memory_space<hbm>>) dst(%arg12 : memref<8192xi32, #tpu.memory_space<vmem>>)
      tpu.yield
    }) : () -> ()
    "tpu.region"() ({
      %run_scoped3A_90 = tpu.sem_alloc : memref<!tpu.dma_semaphore, #tpu.memory_space<semaphore_mem>>
      %dma_start3A_91 = tpu.memref_slice %arg3[%mul3A_2] : memref<262144xi32, #tpu.memory_space<hbm>> -> memref<8192xi32, #tpu.memory_space<hbm>>
      %dma_start3A_92 = tpu.memref_slice %arg3[%mul3A_2] : memref<262144xi32, #tpu.memory_space<hbm>> -> memref<8192xi32, #tpu.memory_space<hbm>>
      tpu.enqueue_dma source(%dma_start3A_92 : memref<8192xi32, #tpu.memory_space<hbm>>) target(%arg13 : memref<8192xi32, #tpu.memory_space<vmem>>) target_semaphore(%run_scoped3A_90 : memref<!tpu.dma_semaphore, #tpu.memory_space<semaphore_mem>>)
      %dma_wait3A_93 = tpu.memref_slice %arg3[%mul3A_2] : memref<262144xi32, #tpu.memory_space<hbm>> -> memref<8192xi32, #tpu.memory_space<hbm>>
      %dma_wait3A_94 = tpu.memref_slice %arg3[%mul3A_2] : memref<262144xi32, #tpu.memory_space<hbm>> -> memref<8192xi32, #tpu.memory_space<hbm>>
      tpu.wait_dma2 semaphore(%run_scoped3A_90 : memref<!tpu.dma_semaphore, #tpu.memory_space<semaphore_mem>>) src(%dma_wait3A_94 : memref<8192xi32, #tpu.memory_space<hbm>>) dst(%arg13 : memref<8192xi32, #tpu.memory_space<vmem>>)
      tpu.yield
    }) : () -> ()
    "tpu.region"() ({
      %run_scoped3A_90 = tpu.sem_alloc : memref<!tpu.dma_semaphore, #tpu.memory_space<semaphore_mem>>
      tpu.enqueue_dma source(%arg4 : memref<32x128xi32, #tpu.memory_space<hbm>>) target(%arg14 : memref<32x128xi32, #tpu.memory_space<vmem>>) target_semaphore(%run_scoped3A_90 : memref<!tpu.dma_semaphore, #tpu.memory_space<semaphore_mem>>)
      tpu.wait_dma2 semaphore(%run_scoped3A_90 : memref<!tpu.dma_semaphore, #tpu.memory_space<semaphore_mem>>) src(%arg4 : memref<32x128xi32, #tpu.memory_space<hbm>>) dst(%arg14 : memref<32x128xi32, #tpu.memory_space<vmem>>)
      tpu.yield
    }) : () -> ()
    %gather3A = tpu.vector_load_idx %arg14[%iota3A, %broadcast_in_dim3A_3] : memref<32x128xi32, #tpu.memory_space<vmem>>[vector<16xi32>, vector<16xi32>], vector<16xi32>,
    %add3A_4 = arith.constant 16 : i32
    %add3A_5 = vector.broadcast %add3A_4 : i32 to vector<16xi32>
    %add3A_6 = arith.addi %iota3A, %add3A_5 : vector<16xi32>
    %gather3A_7 = tpu.vector_load_idx %arg14[%add3A_6, %broadcast_in_dim3A_3] : memref<32x128xi32, #tpu.memory_space<vmem>>[vector<16xi32>, vector<16xi32>], vector<16xi32>,
    %broadcast_in_dim3A_8 = arith.constant 0 : i32
    %broadcast_in_dim3A_9 = vector.broadcast %broadcast_in_dim3A_8 : i32 to vector<16xi32>
    %lt3A = vector.broadcast %add3A : i32 to vector<16xi32>
    %lt3A_10 = arith.cmpi slt, %iota3A, %lt3A : vector<16xi32>
    %select_n3A = arith.select %lt3A_10, %gather3A, %broadcast_in_dim3A_9 : vector<16xi1>, vector<16xi32>
    %reduce_sum3A = arith.constant true
    %reduce_sum3A_11 = vector.broadcast %reduce_sum3A : i1 to vector<16xi1>
    %reduce_sum3A_12 = tpu.scan <sum>, %select_n3A masked %reduce_sum3A_11 : vector<16xi32>, vector<16xi1> -> vector<16xi32>
    %reduce_sum3A_13 = vector.extract %reduce_sum3A_12[15] : i32 from vector<16xi32>
    %add3A_14 = arith.constant 16 : i32
    %add3A_15 = vector.broadcast %add3A_14 : i32 to vector<16xi32>
    %add3A_16 = arith.addi %iota3A, %add3A_15 : vector<16xi32>
    %lt3A_17 = vector.broadcast %add3A : i32 to vector<16xi32>
    %lt3A_18 = arith.cmpi slt, %add3A_16, %lt3A_17 : vector<16xi32>
    %select_n3A_19 = arith.select %lt3A_18, %gather3A_7, %broadcast_in_dim3A_9 : vector<16xi1>, vector<16xi32>
    %reduce_sum3A_20 = arith.constant true
    %reduce_sum3A_21 = vector.broadcast %reduce_sum3A_20 : i1 to vector<16xi1>
    %reduce_sum3A_22 = tpu.scan <sum>, %select_n3A_19 masked %reduce_sum3A_21 : vector<16xi32>, vector<16xi1> -> vector<16xi32>
    %reduce_sum3A_23 = vector.extract %reduce_sum3A_22[15] : i32 from vector<16xi32>
    %add3A_24 = arith.addi %reduce_sum3A_13, %reduce_sum3A_23 : i32
    %reduce_sum3A_25 = arith.constant true
    %reduce_sum3A_26 = vector.broadcast %reduce_sum3A_25 : i1 to vector<16xi1>
    %reduce_sum3A_27 = tpu.scan <sum>, %gather3A masked %reduce_sum3A_26 : vector<16xi32>, vector<16xi1> -> vector<16xi32>
    %reduce_sum3A_28 = vector.extract %reduce_sum3A_27[15] : i32 from vector<16xi32>
    %reduce_sum3A_29 = arith.constant true
    %reduce_sum3A_30 = vector.broadcast %reduce_sum3A_29 : i1 to vector<16xi1>
    %reduce_sum3A_31 = tpu.scan <sum>, %gather3A_7 masked %reduce_sum3A_30 : vector<16xi32>, vector<16xi1> -> vector<16xi32>
    %reduce_sum3A_32 = vector.extract %reduce_sum3A_31[15] : i32 from vector<16xi32>
    %add3A_33 = arith.addi %reduce_sum3A_28, %reduce_sum3A_32 : i32
    %scan3A = arith.constant 0 : i32
    %scan3A_34 = arith.constant 512 : i32
    %scan3A_35 = arith.addi %scan3A, %scan3A_34 : i32
    %scan3A_36 = arith.constant 1 : i32
    scf.for %scan3A_90 = %scan3A to %scan3A_35 step %scan3A_36  : i32 {
      %mul3A_91 = arith.constant 1 : i32
      %mul3A_92 = arith.muli %scan3A_90, %mul3A_91 : i32
      %add3A_93 = arith.constant 0 : i32
      %add3A_94 = arith.addi %add3A_93, %mul3A_92 : i32
      %mul3A_95 = arith.constant 16 : i32
      %mul3A_96 = arith.muli %add3A_94, %mul3A_95 : i32
      %get3A = arith.index_cast %mul3A_96 : i32 to index
      %get3A_97 = tpu.vector_load %arg12[%get3A] {strides = array<i32>} : memref<8192xi32, #tpu.memory_space<vmem>>, vector<16xi32>,
      %mul3A_98 = arith.constant 16 : i32
      %mul3A_99 = arith.muli %add3A_94, %mul3A_98 : i32
      %get3A_100 = arith.index_cast %mul3A_99 : i32 to index
      %get3A_101 = tpu.vector_load %arg13[%get3A_100] {strides = array<i32>} : memref<8192xi32, #tpu.memory_space<vmem>>, vector<16xi32>,
      %add3A_102 = vector.broadcast %add3A_24 : i32 to vector<16xi32>
      %add3A_103 = arith.addi %get3A_101, %add3A_102 : vector<16xi32>
      %mul3A_104 = arith.constant 16 : i32
      %mul3A_105 = arith.muli %add3A_94, %mul3A_104 : i32
      %add3A_106 = arith.addi %mul3A_2, %mul3A_105 : i32
      %add3A_107 = vector.broadcast %add3A_106 : i32 to vector<16xi32>
      %add3A_108 = arith.addi %add3A_107, %iota3A : vector<16xi32>
      %eq3A = arith.constant 1 : i32
      %eq3A_109 = vector.broadcast %eq3A : i32 to vector<16xi32>
      %eq3A_110 = arith.cmpi eq, %get3A_97, %eq3A_109 : vector<16xi32>
      %sub3A = arith.constant 1 : i32
      %sub3A_111 = vector.broadcast %sub3A : i32 to vector<16xi32>
      %sub3A_112 = arith.subi %add3A_103, %sub3A_111 : vector<16xi32>
      %add3A_113 = vector.broadcast %add3A_33 : i32 to vector<16xi32>
      %add3A_114 = arith.addi %add3A_113, %add3A_108 : vector<16xi32>
      %sub3A_115 = arith.subi %add3A_114, %add3A_103 : vector<16xi32>
      %select_n3A_116 = arith.select %eq3A_110, %sub3A_112, %sub3A_115 : vector<16xi1>, vector<16xi32>
      %mul3A_117 = arith.constant 16 : i32
      %mul3A_118 = arith.muli %add3A_94, %mul3A_117 : i32
      %swap3A = arith.index_cast %mul3A_118 : i32 to index
      %swap3A_119 = tpu.vector_load %arg15[%swap3A] {strides = array<i32>} : memref<8192xi32, #tpu.memory_space<vmem>>, vector<16xi32>,
      tpu.vector_store %arg15[%swap3A], %select_n3A_116 {strides = array<i32>} : memref<8192xi32, #tpu.memory_space<vmem>>, vector<16xi32>,
    }
    %scan3A_37 = arith.constant 512 : i32
    %iota3A_38 = tpu.iota {dimensions = array<i32: 0>} : vector<16xi32>
    %broadcast_in_dim3A_39 = arith.constant 0 : i32
    %broadcast_in_dim3A_40 = vector.broadcast %broadcast_in_dim3A_39 : i32 to vector<16xi32>
    %add3A_41 = arith.constant 0 : i32
    %add3A_42 = arith.addi %mul3A_2, %add3A_41 : i32
    %run_scoped3A = arith.constant 0 : i32
    "tpu.region"() ({
      %run_scoped3A_90 = tpu.sem_alloc : memref<!tpu.dma_semaphore, #tpu.memory_space<semaphore_mem>>
      %dma_start3A_91 = arith.constant 0 : i32
      %dma_start3A_92 = tpu.memref_slice %arg16[%run_scoped3A, %dma_start3A_91] : memref<6x4096xf32, #tpu.memory_space<vmem>> -> memref<1x4096xf32, #tpu.memory_space<vmem>>
      %dma_start3A_93 = tpu.memref_squeeze %dma_start3A_92 : memref<1x4096xf32, #tpu.memory_space<vmem>> -> memref<4096xf32, #tpu.memory_space<vmem>>
      %dma_start3A_94 = tpu.memref_slice %arg5[%add3A_42] : memref<262144xf32, #tpu.memory_space<hbm>> -> memref<4096xf32, #tpu.memory_space<hbm>>
      %dma_start3A_95 = arith.constant 0 : i32
      %dma_start3A_96 = tpu.memref_slice %arg16[%run_scoped3A, %dma_start3A_95] : memref<6x4096xf32, #tpu.memory_space<vmem>> -> memref<1x4096xf32, #tpu.memory_space<vmem>>
      %dma_start3A_97 = tpu.memref_squeeze %dma_start3A_96 : memref<1x4096xf32, #tpu.memory_space<vmem>> -> memref<4096xf32, #tpu.memory_space<vmem>>
      %dma_start3A_98 = tpu.memref_slice %arg5[%add3A_42] : memref<262144xf32, #tpu.memory_space<hbm>> -> memref<4096xf32, #tpu.memory_space<hbm>>
      tpu.enqueue_dma source(%dma_start3A_98 : memref<4096xf32, #tpu.memory_space<hbm>>) target(%dma_start3A_97 : memref<4096xf32, #tpu.memory_space<vmem>>) target_semaphore(%run_scoped3A_90 : memref<!tpu.dma_semaphore, #tpu.memory_space<semaphore_mem>>)
      %dma_wait3A_99 = arith.constant 0 : i32
      %dma_wait3A_100 = tpu.memref_slice %arg16[%run_scoped3A, %dma_wait3A_99] : memref<6x4096xf32, #tpu.memory_space<vmem>> -> memref<1x4096xf32, #tpu.memory_space<vmem>>
      %dma_wait3A_101 = tpu.memref_squeeze %dma_wait3A_100 : memref<1x4096xf32, #tpu.memory_space<vmem>> -> memref<4096xf32, #tpu.memory_space<vmem>>
      %dma_wait3A_102 = tpu.memref_slice %arg5[%add3A_42] : memref<262144xf32, #tpu.memory_space<hbm>> -> memref<4096xf32, #tpu.memory_space<hbm>>
      %dma_wait3A_103 = arith.constant 0 : i32
      %dma_wait3A_104 = tpu.memref_slice %arg16[%run_scoped3A, %dma_wait3A_103] : memref<6x4096xf32, #tpu.memory_space<vmem>> -> memref<1x4096xf32, #tpu.memory_space<vmem>>
      %dma_wait3A_105 = tpu.memref_squeeze %dma_wait3A_104 : memref<1x4096xf32, #tpu.memory_space<vmem>> -> memref<4096xf32, #tpu.memory_space<vmem>>
      %dma_wait3A_106 = tpu.memref_slice %arg5[%add3A_42] : memref<262144xf32, #tpu.memory_space<hbm>> -> memref<4096xf32, #tpu.memory_space<hbm>>
      tpu.wait_dma2 semaphore(%run_scoped3A_90 : memref<!tpu.dma_semaphore, #tpu.memory_space<semaphore_mem>>) src(%dma_wait3A_106 : memref<4096xf32, #tpu.memory_space<hbm>>) dst(%dma_wait3A_105 : memref<4096xf32, #tpu.memory_space<vmem>>)
      tpu.yield
    }) : () -> ()
    %add3A_43 = arith.constant 0 : i32
    %add3A_44 = arith.addi %mul3A_2, %add3A_43 : i32
    %run_scoped3A_45 = arith.constant 1 : i32
    "tpu.region"() ({
      %run_scoped3A_90 = tpu.sem_alloc : memref<!tpu.dma_semaphore, #tpu.memory_space<semaphore_mem>>
      %dma_start3A_91 = arith.constant 0 : i32
      %dma_start3A_92 = tpu.memref_slice %arg16[%run_scoped3A_45, %dma_start3A_91] : memref<6x4096xf32, #tpu.memory_space<vmem>> -> memref<1x4096xf32, #tpu.memory_space<vmem>>
      %dma_start3A_93 = tpu.memref_squeeze %dma_start3A_92 : memref<1x4096xf32, #tpu.memory_space<vmem>> -> memref<4096xf32, #tpu.memory_space<vmem>>
      %dma_start3A_94 = tpu.memref_slice %arg6[%add3A_44] : memref<262144xf32, #tpu.memory_space<hbm>> -> memref<4096xf32, #tpu.memory_space<hbm>>
      %dma_start3A_95 = arith.constant 0 : i32
      %dma_start3A_96 = tpu.memref_slice %arg16[%run_scoped3A_45, %dma_start3A_95] : memref<6x4096xf32, #tpu.memory_space<vmem>> -> memref<1x4096xf32, #tpu.memory_space<vmem>>
      %dma_start3A_97 = tpu.memref_squeeze %dma_start3A_96 : memref<1x4096xf32, #tpu.memory_space<vmem>> -> memref<4096xf32, #tpu.memory_space<vmem>>
      %dma_start3A_98 = tpu.memref_slice %arg6[%add3A_44] : memref<262144xf32, #tpu.memory_space<hbm>> -> memref<4096xf32, #tpu.memory_space<hbm>>
      tpu.enqueue_dma source(%dma_start3A_98 : memref<4096xf32, #tpu.memory_space<hbm>>) target(%dma_start3A_97 : memref<4096xf32, #tpu.memory_space<vmem>>) target_semaphore(%run_scoped3A_90 : memref<!tpu.dma_semaphore, #tpu.memory_space<semaphore_mem>>)
      %dma_wait3A_99 = arith.constant 0 : i32
      %dma_wait3A_100 = tpu.memref_slice %arg16[%run_scoped3A_45, %dma_wait3A_99] : memref<6x4096xf32, #tpu.memory_space<vmem>> -> memref<1x4096xf32, #tpu.memory_space<vmem>>
      %dma_wait3A_101 = tpu.memref_squeeze %dma_wait3A_100 : memref<1x4096xf32, #tpu.memory_space<vmem>> -> memref<4096xf32, #tpu.memory_space<vmem>>
      %dma_wait3A_102 = tpu.memref_slice %arg6[%add3A_44] : memref<262144xf32, #tpu.memory_space<hbm>> -> memref<4096xf32, #tpu.memory_space<hbm>>
      %dma_wait3A_103 = arith.constant 0 : i32
      %dma_wait3A_104 = tpu.memref_slice %arg16[%run_scoped3A_45, %dma_wait3A_103] : memref<6x4096xf32, #tpu.memory_space<vmem>> -> memref<1x4096xf32, #tpu.memory_space<vmem>>
      %dma_wait3A_105 = tpu.memref_squeeze %dma_wait3A_104 : memref<1x4096xf32, #tpu.memory_space<vmem>> -> memref<4096xf32, #tpu.memory_space<vmem>>
      %dma_wait3A_106 = tpu.memref_slice %arg6[%add3A_44] : memref<262144xf32, #tpu.memory_space<hbm>> -> memref<4096xf32, #tpu.memory_space<hbm>>
      tpu.wait_dma2 semaphore(%run_scoped3A_90 : memref<!tpu.dma_semaphore, #tpu.memory_space<semaphore_mem>>) src(%dma_wait3A_106 : memref<4096xf32, #tpu.memory_space<hbm>>) dst(%dma_wait3A_105 : memref<4096xf32, #tpu.memory_space<vmem>>)
      tpu.yield
    }) : () -> ()
    %add3A_46 = arith.constant 0 : i32
    %add3A_47 = arith.addi %mul3A_2, %add3A_46 : i32
    %run_scoped3A_48 = arith.constant 2 : i32
    "tpu.region"() ({
      %run_scoped3A_90 = tpu.sem_alloc : memref<!tpu.dma_semaphore, #tpu.memory_space<semaphore_mem>>
      %dma_start3A_91 = arith.constant 0 : i32
      %dma_start3A_92 = tpu.memref_slice %arg16[%run_scoped3A_48, %dma_start3A_91] : memref<6x4096xf32, #tpu.memory_space<vmem>> -> memref<1x4096xf32, #tpu.memory_space<vmem>>
      %dma_start3A_93 = tpu.memref_squeeze %dma_start3A_92 : memref<1x4096xf32, #tpu.memory_space<vmem>> -> memref<4096xf32, #tpu.memory_space<vmem>>
      %dma_start3A_94 = tpu.memref_slice %arg7[%add3A_47] : memref<262144xf32, #tpu.memory_space<hbm>> -> memref<4096xf32, #tpu.memory_space<hbm>>
      %dma_start3A_95 = arith.constant 0 : i32
      %dma_start3A_96 = tpu.memref_slice %arg16[%run_scoped3A_48, %dma_start3A_95] : memref<6x4096xf32, #tpu.memory_space<vmem>> -> memref<1x4096xf32, #tpu.memory_space<vmem>>
      %dma_start3A_97 = tpu.memref_squeeze %dma_start3A_96 : memref<1x4096xf32, #tpu.memory_space<vmem>> -> memref<4096xf32, #tpu.memory_space<vmem>>
      %dma_start3A_98 = tpu.memref_slice %arg7[%add3A_47] : memref<262144xf32, #tpu.memory_space<hbm>> -> memref<4096xf32, #tpu.memory_space<hbm>>
      tpu.enqueue_dma source(%dma_start3A_98 : memref<4096xf32, #tpu.memory_space<hbm>>) target(%dma_start3A_97 : memref<4096xf32, #tpu.memory_space<vmem>>) target_semaphore(%run_scoped3A_90 : memref<!tpu.dma_semaphore, #tpu.memory_space<semaphore_mem>>)
      %dma_wait3A_99 = arith.constant 0 : i32
      %dma_wait3A_100 = tpu.memref_slice %arg16[%run_scoped3A_48, %dma_wait3A_99] : memref<6x4096xf32, #tpu.memory_space<vmem>> -> memref<1x4096xf32, #tpu.memory_space<vmem>>
      %dma_wait3A_101 = tpu.memref_squeeze %dma_wait3A_100 : memref<1x4096xf32, #tpu.memory_space<vmem>> -> memref<4096xf32, #tpu.memory_space<vmem>>
      %dma_wait3A_102 = tpu.memref_slice %arg7[%add3A_47] : memref<262144xf32, #tpu.memory_space<hbm>> -> memref<4096xf32, #tpu.memory_space<hbm>>
      %dma_wait3A_103 = arith.constant 0 : i32
      %dma_wait3A_104 = tpu.memref_slice %arg16[%run_scoped3A_48, %dma_wait3A_103] : memref<6x4096xf32, #tpu.memory_space<vmem>> -> memref<1x4096xf32, #tpu.memory_space<vmem>>
      %dma_wait3A_105 = tpu.memref_squeeze %dma_wait3A_104 : memref<1x4096xf32, #tpu.memory_space<vmem>> -> memref<4096xf32, #tpu.memory_space<vmem>>
      %dma_wait3A_106 = tpu.memref_slice %arg7[%add3A_47] : memref<262144xf32, #tpu.memory_space<hbm>> -> memref<4096xf32, #tpu.memory_space<hbm>>
      tpu.wait_dma2 semaphore(%run_scoped3A_90 : memref<!tpu.dma_semaphore, #tpu.memory_space<semaphore_mem>>) src(%dma_wait3A_106 : memref<4096xf32, #tpu.memory_space<hbm>>) dst(%dma_wait3A_105 : memref<4096xf32, #tpu.memory_space<vmem>>)
      tpu.yield
    }) : () -> ()
    %add3A_49 = arith.constant 0 : i32
    %add3A_50 = arith.addi %mul3A_2, %add3A_49 : i32
    %run_scoped3A_51 = arith.constant 3 : i32
    "tpu.region"() ({
      %run_scoped3A_90 = tpu.sem_alloc : memref<!tpu.dma_semaphore, #tpu.memory_space<semaphore_mem>>
      %dma_start3A_91 = arith.constant 0 : i32
      %dma_start3A_92 = tpu.memref_slice %arg16[%run_scoped3A_51, %dma_start3A_91] : memref<6x4096xf32, #tpu.memory_space<vmem>> -> memref<1x4096xf32, #tpu.memory_space<vmem>>
      %dma_start3A_93 = tpu.memref_squeeze %dma_start3A_92 : memref<1x4096xf32, #tpu.memory_space<vmem>> -> memref<4096xf32, #tpu.memory_space<vmem>>
      %dma_start3A_94 = tpu.memref_slice %arg8[%add3A_50] : memref<262144xf32, #tpu.memory_space<hbm>> -> memref<4096xf32, #tpu.memory_space<hbm>>
      %dma_start3A_95 = arith.constant 0 : i32
      %dma_start3A_96 = tpu.memref_slice %arg16[%run_scoped3A_51, %dma_start3A_95] : memref<6x4096xf32, #tpu.memory_space<vmem>> -> memref<1x4096xf32, #tpu.memory_space<vmem>>
      %dma_start3A_97 = tpu.memref_squeeze %dma_start3A_96 : memref<1x4096xf32, #tpu.memory_space<vmem>> -> memref<4096xf32, #tpu.memory_space<vmem>>
      %dma_start3A_98 = tpu.memref_slice %arg8[%add3A_50] : memref<262144xf32, #tpu.memory_space<hbm>> -> memref<4096xf32, #tpu.memory_space<hbm>>
      tpu.enqueue_dma source(%dma_start3A_98 : memref<4096xf32, #tpu.memory_space<hbm>>) target(%dma_start3A_97 : memref<4096xf32, #tpu.memory_space<vmem>>) target_semaphore(%run_scoped3A_90 : memref<!tpu.dma_semaphore, #tpu.memory_space<semaphore_mem>>)
      %dma_wait3A_99 = arith.constant 0 : i32
      %dma_wait3A_100 = tpu.memref_slice %arg16[%run_scoped3A_51, %dma_wait3A_99] : memref<6x4096xf32, #tpu.memory_space<vmem>> -> memref<1x4096xf32, #tpu.memory_space<vmem>>
      %dma_wait3A_101 = tpu.memref_squeeze %dma_wait3A_100 : memref<1x4096xf32, #tpu.memory_space<vmem>> -> memref<4096xf32, #tpu.memory_space<vmem>>
      %dma_wait3A_102 = tpu.memref_slice %arg8[%add3A_50] : memref<262144xf32, #tpu.memory_space<hbm>> -> memref<4096xf32, #tpu.memory_space<hbm>>
      %dma_wait3A_103 = arith.constant 0 : i32
      %dma_wait3A_104 = tpu.memref_slice %arg16[%run_scoped3A_51, %dma_wait3A_103] : memref<6x4096xf32, #tpu.memory_space<vmem>> -> memref<1x4096xf32, #tpu.memory_space<vmem>>
      %dma_wait3A_105 = tpu.memref_squeeze %dma_wait3A_104 : memref<1x4096xf32, #tpu.memory_space<vmem>> -> memref<4096xf32, #tpu.memory_space<vmem>>
      %dma_wait3A_106 = tpu.memref_slice %arg8[%add3A_50] : memref<262144xf32, #tpu.memory_space<hbm>> -> memref<4096xf32, #tpu.memory_space<hbm>>
      tpu.wait_dma2 semaphore(%run_scoped3A_90 : memref<!tpu.dma_semaphore, #tpu.memory_space<semaphore_mem>>) src(%dma_wait3A_106 : memref<4096xf32, #tpu.memory_space<hbm>>) dst(%dma_wait3A_105 : memref<4096xf32, #tpu.memory_space<vmem>>)
      tpu.yield
    }) : () -> ()
    %add3A_52 = arith.constant 0 : i32
    %add3A_53 = arith.addi %mul3A_2, %add3A_52 : i32
    %run_scoped3A_54 = arith.constant 4 : i32
    "tpu.region"() ({
      %run_scoped3A_90 = tpu.sem_alloc : memref<!tpu.dma_semaphore, #tpu.memory_space<semaphore_mem>>
      %dma_start3A_91 = arith.constant 0 : i32
      %dma_start3A_92 = tpu.memref_slice %arg16[%run_scoped3A_54, %dma_start3A_91] : memref<6x4096xf32, #tpu.memory_space<vmem>> -> memref<1x4096xf32, #tpu.memory_space<vmem>>
      %dma_start3A_93 = tpu.memref_squeeze %dma_start3A_92 : memref<1x4096xf32, #tpu.memory_space<vmem>> -> memref<4096xf32, #tpu.memory_space<vmem>>
      %dma_start3A_94 = tpu.memref_slice %arg9[%add3A_53] : memref<262144xf32, #tpu.memory_space<hbm>> -> memref<4096xf32, #tpu.memory_space<hbm>>
      %dma_start3A_95 = arith.constant 0 : i32
      %dma_start3A_96 = tpu.memref_slice %arg16[%run_scoped3A_54, %dma_start3A_95] : memref<6x4096xf32, #tpu.memory_space<vmem>> -> memref<1x4096xf32, #tpu.memory_space<vmem>>
      %dma_start3A_97 = tpu.memref_squeeze %dma_start3A_96 : memref<1x4096xf32, #tpu.memory_space<vmem>> -> memref<4096xf32, #tpu.memory_space<vmem>>
      %dma_start3A_98 = tpu.memref_slice %arg9[%add3A_53] : memref<262144xf32, #tpu.memory_space<hbm>> -> memref<4096xf32, #tpu.memory_space<hbm>>
      tpu.enqueue_dma source(%dma_start3A_98 : memref<4096xf32, #tpu.memory_space<hbm>>) target(%dma_start3A_97 : memref<4096xf32, #tpu.memory_space<vmem>>) target_semaphore(%run_scoped3A_90 : memref<!tpu.dma_semaphore, #tpu.memory_space<semaphore_mem>>)
      %dma_wait3A_99 = arith.constant 0 : i32
      %dma_wait3A_100 = tpu.memref_slice %arg16[%run_scoped3A_54, %dma_wait3A_99] : memref<6x4096xf32, #tpu.memory_space<vmem>> -> memref<1x4096xf32, #tpu.memory_space<vmem>>
      %dma_wait3A_101 = tpu.memref_squeeze %dma_wait3A_100 : memref<1x4096xf32, #tpu.memory_space<vmem>> -> memref<4096xf32, #tpu.memory_space<vmem>>
      %dma_wait3A_102 = tpu.memref_slice %arg9[%add3A_53] : memref<262144xf32, #tpu.memory_space<hbm>> -> memref<4096xf32, #tpu.memory_space<hbm>>
      %dma_wait3A_103 = arith.constant 0 : i32
      %dma_wait3A_104 = tpu.memref_slice %arg16[%run_scoped3A_54, %dma_wait3A_103] : memref<6x4096xf32, #tpu.memory_space<vmem>> -> memref<1x4096xf32, #tpu.memory_space<vmem>>
      %dma_wait3A_105 = tpu.memref_squeeze %dma_wait3A_104 : memref<1x4096xf32, #tpu.memory_space<vmem>> -> memref<4096xf32, #tpu.memory_space<vmem>>
      %dma_wait3A_106 = tpu.memref_slice %arg9[%add3A_53] : memref<262144xf32, #tpu.memory_space<hbm>> -> memref<4096xf32, #tpu.memory_space<hbm>>
      tpu.wait_dma2 semaphore(%run_scoped3A_90 : memref<!tpu.dma_semaphore, #tpu.memory_space<semaphore_mem>>) src(%dma_wait3A_106 : memref<4096xf32, #tpu.memory_space<hbm>>) dst(%dma_wait3A_105 : memref<4096xf32, #tpu.memory_space<vmem>>)
      tpu.yield
    }) : () -> ()
    %add3A_55 = arith.constant 0 : i32
    %add3A_56 = arith.addi %mul3A_2, %add3A_55 : i32
    %run_scoped3A_57 = arith.constant 5 : i32
    "tpu.region"() ({
      %run_scoped3A_90 = tpu.sem_alloc : memref<!tpu.dma_semaphore, #tpu.memory_space<semaphore_mem>>
      %dma_start3A_91 = arith.constant 0 : i32
      %dma_start3A_92 = tpu.memref_slice %arg16[%run_scoped3A_57, %dma_start3A_91] : memref<6x4096xf32, #tpu.memory_space<vmem>> -> memref<1x4096xf32, #tpu.memory_space<vmem>>
      %dma_start3A_93 = tpu.memref_squeeze %dma_start3A_92 : memref<1x4096xf32, #tpu.memory_space<vmem>> -> memref<4096xf32, #tpu.memory_space<vmem>>
      %dma_start3A_94 = tpu.memref_slice %arg10[%add3A_56] : memref<262144xf32, #tpu.memory_space<hbm>> -> memref<4096xf32, #tpu.memory_space<hbm>>
      %dma_start3A_95 = arith.constant 0 : i32
      %dma_start3A_96 = tpu.memref_slice %arg16[%run_scoped3A_57, %dma_start3A_95] : memref<6x4096xf32, #tpu.memory_space<vmem>> -> memref<1x4096xf32, #tpu.memory_space<vmem>>
      %dma_start3A_97 = tpu.memref_squeeze %dma_start3A_96 : memref<1x4096xf32, #tpu.memory_space<vmem>> -> memref<4096xf32, #tpu.memory_space<vmem>>
      %dma_start3A_98 = tpu.memref_slice %arg10[%add3A_56] : memref<262144xf32, #tpu.memory_space<hbm>> -> memref<4096xf32, #tpu.memory_space<hbm>>
      tpu.enqueue_dma source(%dma_start3A_98 : memref<4096xf32, #tpu.memory_space<hbm>>) target(%dma_start3A_97 : memref<4096xf32, #tpu.memory_space<vmem>>) target_semaphore(%run_scoped3A_90 : memref<!tpu.dma_semaphore, #tpu.memory_space<semaphore_mem>>)
      %dma_wait3A_99 = arith.constant 0 : i32
      %dma_wait3A_100 = tpu.memref_slice %arg16[%run_scoped3A_57, %dma_wait3A_99] : memref<6x4096xf32, #tpu.memory_space<vmem>> -> memref<1x4096xf32, #tpu.memory_space<vmem>>
      %dma_wait3A_101 = tpu.memref_squeeze %dma_wait3A_100 : memref<1x4096xf32, #tpu.memory_space<vmem>> -> memref<4096xf32, #tpu.memory_space<vmem>>
      %dma_wait3A_102 = tpu.memref_slice %arg10[%add3A_56] : memref<262144xf32, #tpu.memory_space<hbm>> -> memref<4096xf32, #tpu.memory_space<hbm>>
      %dma_wait3A_103 = arith.constant 0 : i32
      %dma_wait3A_104 = tpu.memref_slice %arg16[%run_scoped3A_57, %dma_wait3A_103] : memref<6x4096xf32, #tpu.memory_space<vmem>> -> memref<1x4096xf32, #tpu.memory_space<vmem>>
      %dma_wait3A_105 = tpu.memref_squeeze %dma_wait3A_104 : memref<1x4096xf32, #tpu.memory_space<vmem>> -> memref<4096xf32, #tpu.memory_space<vmem>>
      %dma_wait3A_106 = tpu.memref_slice %arg10[%add3A_56] : memref<262144xf32, #tpu.memory_space<hbm>> -> memref<4096xf32, #tpu.memory_space<hbm>>
      tpu.wait_dma2 semaphore(%run_scoped3A_90 : memref<!tpu.dma_semaphore, #tpu.memory_space<semaphore_mem>>) src(%dma_wait3A_106 : memref<4096xf32, #tpu.memory_space<hbm>>) dst(%dma_wait3A_105 : memref<4096xf32, #tpu.memory_space<vmem>>)
      tpu.yield
    }) : () -> ()
    %scan3A_58 = arith.constant 0 : i32
    %scan3A_59 = arith.constant 256 : i32
    %scan3A_60 = arith.addi %scan3A_58, %scan3A_59 : i32
    %scan3A_61 = arith.constant 1 : i32
    scf.for %scan3A_90 = %scan3A_58 to %scan3A_60 step %scan3A_61  : i32 {
      %mul3A_91 = arith.constant 1 : i32
      %mul3A_92 = arith.muli %scan3A_90, %mul3A_91 : i32
      %add3A_93 = arith.constant 0 : i32
      %add3A_94 = arith.addi %add3A_93, %mul3A_92 : i32
      %mul3A_95 = arith.constant 16 : i32
      %mul3A_96 = arith.muli %add3A_94, %mul3A_95 : i32
      %get3A = arith.constant 0 : i32
      %get3A_97 = arith.index_cast %get3A : i32 to index
      %get3A_98 = arith.index_cast %mul3A_96 : i32 to index
      %get3A_99 = tpu.vector_load %arg16[%get3A_97, %get3A_98] {strides = array<i32>} : memref<6x4096xf32, #tpu.memory_space<vmem>>, vector<16xf32>,
      %get3A_100 = arith.constant 1 : i32
      %get3A_101 = arith.index_cast %get3A_100 : i32 to index
      %get3A_102 = arith.index_cast %mul3A_96 : i32 to index
      %get3A_103 = tpu.vector_load %arg16[%get3A_101, %get3A_102] {strides = array<i32>} : memref<6x4096xf32, #tpu.memory_space<vmem>>, vector<16xf32>,
      %get3A_104 = arith.constant 2 : i32
      %get3A_105 = arith.index_cast %get3A_104 : i32 to index
      %get3A_106 = arith.index_cast %mul3A_96 : i32 to index
      %get3A_107 = tpu.vector_load %arg16[%get3A_105, %get3A_106] {strides = array<i32>} : memref<6x4096xf32, #tpu.memory_space<vmem>>, vector<16xf32>,
      %get3A_108 = arith.constant 3 : i32
      %get3A_109 = arith.index_cast %get3A_108 : i32 to index
      %get3A_110 = arith.index_cast %mul3A_96 : i32 to index
      %get3A_111 = tpu.vector_load %arg16[%get3A_109, %get3A_110] {strides = array<i32>} : memref<6x4096xf32, #tpu.memory_space<vmem>>, vector<16xf32>,
      %get3A_112 = arith.constant 4 : i32
      %get3A_113 = arith.index_cast %get3A_112 : i32 to index
      %get3A_114 = arith.index_cast %mul3A_96 : i32 to index
      %get3A_115 = tpu.vector_load %arg16[%get3A_113, %get3A_114] {strides = array<i32>} : memref<6x4096xf32, #tpu.memory_space<vmem>>, vector<16xf32>,
      %get3A_116 = arith.constant 5 : i32
      %get3A_117 = arith.index_cast %get3A_116 : i32 to index
      %get3A_118 = arith.index_cast %mul3A_96 : i32 to index
      %get3A_119 = tpu.vector_load %arg16[%get3A_117, %get3A_118] {strides = array<i32>} : memref<6x4096xf32, #tpu.memory_space<vmem>>, vector<16xf32>,
      %add3A_120 = arith.constant 0 : i32
      %add3A_121 = arith.addi %add3A_120, %mul3A_96 : i32
      %add3A_122 = vector.broadcast %add3A_121 : i32 to vector<16xi32>
      %add3A_123 = arith.addi %add3A_122, %iota3A_38 : vector<16xi32>
      %add3A_124 = arith.constant 5.000000e-01 : f32
      %add3A_125 = vector.broadcast %add3A_124 : f32 to vector<16xf32>
      %add3A_126 = arith.addf %get3A_119, %add3A_125 : vector<16xf32>
      %mul3A_127 = arith.constant 1.000000e+00 : f32
      %mul3A_128 = vector.broadcast %mul3A_127 : f32 to vector<16xf32>
      %mul3A_129 = arith.mulf %add3A_126, %mul3A_128 : vector<16xf32>
      %add3A_130 = arith.constant -5.000000e+01 : f32
      %add3A_131 = vector.broadcast %add3A_130 : f32 to vector<16xf32>
      %add3A_132 = arith.addf %mul3A_129, %add3A_131 : vector<16xf32>
      %sub3A = arith.subf %get3A_99, %add3A_132 : vector<16xf32>
      tpu.vector_store_idx %arg17[%add3A_123, %broadcast_in_dim3A_40], %sub3A : memref<8192x8xf32, #tpu.memory_space<vmem>>[vector<16xi32>, vector<16xi32>], vector<16xf32>,
      %add3A_133 = arith.constant 1 : i32
      %add3A_134 = vector.broadcast %add3A_133 : i32 to vector<16xi32>
      %add3A_135 = arith.addi %broadcast_in_dim3A_40, %add3A_134 : vector<16xi32>
      %add3A_136 = arith.constant 5.000000e-01 : f32
      %add3A_137 = vector.broadcast %add3A_136 : f32 to vector<16xf32>
      %add3A_138 = arith.addf %get3A_115, %add3A_137 : vector<16xf32>
      %mul3A_139 = arith.constant 1.000000e+00 : f32
      %mul3A_140 = vector.broadcast %mul3A_139 : f32 to vector<16xf32>
      %mul3A_141 = arith.mulf %add3A_138, %mul3A_140 : vector<16xf32>
      %add3A_142 = arith.constant -5.000000e+01 : f32
      %add3A_143 = vector.broadcast %add3A_142 : f32 to vector<16xf32>
      %add3A_144 = arith.addf %mul3A_141, %add3A_143 : vector<16xf32>
      %sub3A_145 = arith.subf %get3A_103, %add3A_144 : vector<16xf32>
      tpu.vector_store_idx %arg17[%add3A_123, %add3A_135], %sub3A_145 : memref<8192x8xf32, #tpu.memory_space<vmem>>[vector<16xi32>, vector<16xi32>], vector<16xf32>,
      %add3A_146 = arith.constant 2 : i32
      %add3A_147 = vector.broadcast %add3A_146 : i32 to vector<16xi32>
      %add3A_148 = arith.addi %broadcast_in_dim3A_40, %add3A_147 : vector<16xi32>
      %add3A_149 = arith.constant 5.000000e-01 : f32
      %add3A_150 = vector.broadcast %add3A_149 : f32 to vector<16xf32>
      %add3A_151 = arith.addf %get3A_111, %add3A_150 : vector<16xf32>
      %mul3A_152 = arith.constant 8.000000e-02 : f32
      %mul3A_153 = vector.broadcast %mul3A_152 : f32 to vector<16xf32>
      %mul3A_154 = arith.mulf %add3A_151, %mul3A_153 : vector<16xf32>
      %add3A_155 = arith.constant -5.000000e+00 : f32
      %add3A_156 = vector.broadcast %add3A_155 : f32 to vector<16xf32>
      %add3A_157 = arith.addf %mul3A_154, %add3A_156 : vector<16xf32>
      %sub3A_158 = arith.subf %get3A_107, %add3A_157 : vector<16xf32>
      tpu.vector_store_idx %arg17[%add3A_123, %add3A_148], %sub3A_158 : memref<8192x8xf32, #tpu.memory_space<vmem>>[vector<16xi32>, vector<16xi32>], vector<16xf32>,
    }
    %scan3A_62 = arith.constant 256 : i32
    %add3A_63 = arith.constant 4096 : i32
    %add3A_64 = arith.addi %mul3A_2, %add3A_63 : i32
    %run_scoped3A_65 = arith.constant 0 : i32
    "tpu.region"() ({
      %run_scoped3A_90 = tpu.sem_alloc : memref<!tpu.dma_semaphore, #tpu.memory_space<semaphore_mem>>
      %dma_start3A_91 = arith.constant 0 : i32
      %dma_start3A_92 = tpu.memref_slice %arg16[%run_scoped3A_65, %dma_start3A_91] : memref<6x4096xf32, #tpu.memory_space<vmem>> -> memref<1x4096xf32, #tpu.memory_space<vmem>>
      %dma_start3A_93 = tpu.memref_squeeze %dma_start3A_92 : memref<1x4096xf32, #tpu.memory_space<vmem>> -> memref<4096xf32, #tpu.memory_space<vmem>>
      %dma_start3A_94 = tpu.memref_slice %arg5[%add3A_64] : memref<262144xf32, #tpu.memory_space<hbm>> -> memref<4096xf32, #tpu.memory_space<hbm>>
      %dma_start3A_95 = arith.constant 0 : i32
      %dma_start3A_96 = tpu.memref_slice %arg16[%run_scoped3A_65, %dma_start3A_95] : memref<6x4096xf32, #tpu.memory_space<vmem>> -> memref<1x4096xf32, #tpu.memory_space<vmem>>
      %dma_start3A_97 = tpu.memref_squeeze %dma_start3A_96 : memref<1x4096xf32, #tpu.memory_space<vmem>> -> memref<4096xf32, #tpu.memory_space<vmem>>
      %dma_start3A_98 = tpu.memref_slice %arg5[%add3A_64] : memref<262144xf32, #tpu.memory_space<hbm>> -> memref<4096xf32, #tpu.memory_space<hbm>>
      tpu.enqueue_dma source(%dma_start3A_98 : memref<4096xf32, #tpu.memory_space<hbm>>) target(%dma_start3A_97 : memref<4096xf32, #tpu.memory_space<vmem>>) target_semaphore(%run_scoped3A_90 : memref<!tpu.dma_semaphore, #tpu.memory_space<semaphore_mem>>)
      %dma_wait3A_99 = arith.constant 0 : i32
      %dma_wait3A_100 = tpu.memref_slice %arg16[%run_scoped3A_65, %dma_wait3A_99] : memref<6x4096xf32, #tpu.memory_space<vmem>> -> memref<1x4096xf32, #tpu.memory_space<vmem>>
      %dma_wait3A_101 = tpu.memref_squeeze %dma_wait3A_100 : memref<1x4096xf32, #tpu.memory_space<vmem>> -> memref<4096xf32, #tpu.memory_space<vmem>>
      %dma_wait3A_102 = tpu.memref_slice %arg5[%add3A_64] : memref<262144xf32, #tpu.memory_space<hbm>> -> memref<4096xf32, #tpu.memory_space<hbm>>
      %dma_wait3A_103 = arith.constant 0 : i32
      %dma_wait3A_104 = tpu.memref_slice %arg16[%run_scoped3A_65, %dma_wait3A_103] : memref<6x4096xf32, #tpu.memory_space<vmem>> -> memref<1x4096xf32, #tpu.memory_space<vmem>>
      %dma_wait3A_105 = tpu.memref_squeeze %dma_wait3A_104 : memref<1x4096xf32, #tpu.memory_space<vmem>> -> memref<4096xf32, #tpu.memory_space<vmem>>
      %dma_wait3A_106 = tpu.memref_slice %arg5[%add3A_64] : memref<262144xf32, #tpu.memory_space<hbm>> -> memref<4096xf32, #tpu.memory_space<hbm>>
      tpu.wait_dma2 semaphore(%run_scoped3A_90 : memref<!tpu.dma_semaphore, #tpu.memory_space<semaphore_mem>>) src(%dma_wait3A_106 : memref<4096xf32, #tpu.memory_space<hbm>>) dst(%dma_wait3A_105 : memref<4096xf32, #tpu.memory_space<vmem>>)
      tpu.yield
    }) : () -> ()
    %add3A_66 = arith.constant 4096 : i32
    %add3A_67 = arith.addi %mul3A_2, %add3A_66 : i32
    %run_scoped3A_68 = arith.constant 1 : i32
    "tpu.region"() ({
      %run_scoped3A_90 = tpu.sem_alloc : memref<!tpu.dma_semaphore, #tpu.memory_space<semaphore_mem>>
      %dma_start3A_91 = arith.constant 0 : i32
      %dma_start3A_92 = tpu.memref_slice %arg16[%run_scoped3A_68, %dma_start3A_91] : memref<6x4096xf32, #tpu.memory_space<vmem>> -> memref<1x4096xf32, #tpu.memory_space<vmem>>
      %dma_start3A_93 = tpu.memref_squeeze %dma_start3A_92 : memref<1x4096xf32, #tpu.memory_space<vmem>> -> memref<4096xf32, #tpu.memory_space<vmem>>
      %dma_start3A_94 = tpu.memref_slice %arg6[%add3A_67] : memref<262144xf32, #tpu.memory_space<hbm>> -> memref<4096xf32, #tpu.memory_space<hbm>>
      %dma_start3A_95 = arith.constant 0 : i32
      %dma_start3A_96 = tpu.memref_slice %arg16[%run_scoped3A_68, %dma_start3A_95] : memref<6x4096xf32, #tpu.memory_space<vmem>> -> memref<1x4096xf32, #tpu.memory_space<vmem>>
      %dma_start3A_97 = tpu.memref_squeeze %dma_start3A_96 : memref<1x4096xf32, #tpu.memory_space<vmem>> -> memref<4096xf32, #tpu.memory_space<vmem>>
      %dma_start3A_98 = tpu.memref_slice %arg6[%add3A_67] : memref<262144xf32, #tpu.memory_space<hbm>> -> memref<4096xf32, #tpu.memory_space<hbm>>
      tpu.enqueue_dma source(%dma_start3A_98 : memref<4096xf32, #tpu.memory_space<hbm>>) target(%dma_start3A_97 : memref<4096xf32, #tpu.memory_space<vmem>>) target_semaphore(%run_scoped3A_90 : memref<!tpu.dma_semaphore, #tpu.memory_space<semaphore_mem>>)
      %dma_wait3A_99 = arith.constant 0 : i32
      %dma_wait3A_100 = tpu.memref_slice %arg16[%run_scoped3A_68, %dma_wait3A_99] : memref<6x4096xf32, #tpu.memory_space<vmem>> -> memref<1x4096xf32, #tpu.memory_space<vmem>>
      %dma_wait3A_101 = tpu.memref_squeeze %dma_wait3A_100 : memref<1x4096xf32, #tpu.memory_space<vmem>> -> memref<4096xf32, #tpu.memory_space<vmem>>
      %dma_wait3A_102 = tpu.memref_slice %arg6[%add3A_67] : memref<262144xf32, #tpu.memory_space<hbm>> -> memref<4096xf32, #tpu.memory_space<hbm>>
      %dma_wait3A_103 = arith.constant 0 : i32
      %dma_wait3A_104 = tpu.memref_slice %arg16[%run_scoped3A_68, %dma_wait3A_103] : memref<6x4096xf32, #tpu.memory_space<vmem>> -> memref<1x4096xf32, #tpu.memory_space<vmem>>
      %dma_wait3A_105 = tpu.memref_squeeze %dma_wait3A_104 : memref<1x4096xf32, #tpu.memory_space<vmem>> -> memref<4096xf32, #tpu.memory_space<vmem>>
      %dma_wait3A_106 = tpu.memref_slice %arg6[%add3A_67] : memref<262144xf32, #tpu.memory_space<hbm>> -> memref<4096xf32, #tpu.memory_space<hbm>>
      tpu.wait_dma2 semaphore(%run_scoped3A_90 : memref<!tpu.dma_semaphore, #tpu.memory_space<semaphore_mem>>) src(%dma_wait3A_106 : memref<4096xf32, #tpu.memory_space<hbm>>) dst(%dma_wait3A_105 : memref<4096xf32, #tpu.memory_space<vmem>>)
      tpu.yield
    }) : () -> ()
    %add3A_69 = arith.constant 4096 : i32
    %add3A_70 = arith.addi %mul3A_2, %add3A_69 : i32
    %run_scoped3A_71 = arith.constant 2 : i32
    "tpu.region"() ({
      %run_scoped3A_90 = tpu.sem_alloc : memref<!tpu.dma_semaphore, #tpu.memory_space<semaphore_mem>>
      %dma_start3A_91 = arith.constant 0 : i32
      %dma_start3A_92 = tpu.memref_slice %arg16[%run_scoped3A_71, %dma_start3A_91] : memref<6x4096xf32, #tpu.memory_space<vmem>> -> memref<1x4096xf32, #tpu.memory_space<vmem>>
      %dma_start3A_93 = tpu.memref_squeeze %dma_start3A_92 : memref<1x4096xf32, #tpu.memory_space<vmem>> -> memref<4096xf32, #tpu.memory_space<vmem>>
      %dma_start3A_94 = tpu.memref_slice %arg7[%add3A_70] : memref<262144xf32, #tpu.memory_space<hbm>> -> memref<4096xf32, #tpu.memory_space<hbm>>
      %dma_start3A_95 = arith.constant 0 : i32
      %dma_start3A_96 = tpu.memref_slice %arg16[%run_scoped3A_71, %dma_start3A_95] : memref<6x4096xf32, #tpu.memory_space<vmem>> -> memref<1x4096xf32, #tpu.memory_space<vmem>>
      %dma_start3A_97 = tpu.memref_squeeze %dma_start3A_96 : memref<1x4096xf32, #tpu.memory_space<vmem>> -> memref<4096xf32, #tpu.memory_space<vmem>>
      %dma_start3A_98 = tpu.memref_slice %arg7[%add3A_70] : memref<262144xf32, #tpu.memory_space<hbm>> -> memref<4096xf32, #tpu.memory_space<hbm>>
      tpu.enqueue_dma source(%dma_start3A_98 : memref<4096xf32, #tpu.memory_space<hbm>>) target(%dma_start3A_97 : memref<4096xf32, #tpu.memory_space<vmem>>) target_semaphore(%run_scoped3A_90 : memref<!tpu.dma_semaphore, #tpu.memory_space<semaphore_mem>>)
      %dma_wait3A_99 = arith.constant 0 : i32
      %dma_wait3A_100 = tpu.memref_slice %arg16[%run_scoped3A_71, %dma_wait3A_99] : memref<6x4096xf32, #tpu.memory_space<vmem>> -> memref<1x4096xf32, #tpu.memory_space<vmem>>
      %dma_wait3A_101 = tpu.memref_squeeze %dma_wait3A_100 : memref<1x4096xf32, #tpu.memory_space<vmem>> -> memref<4096xf32, #tpu.memory_space<vmem>>
      %dma_wait3A_102 = tpu.memref_slice %arg7[%add3A_70] : memref<262144xf32, #tpu.memory_space<hbm>> -> memref<4096xf32, #tpu.memory_space<hbm>>
      %dma_wait3A_103 = arith.constant 0 : i32
      %dma_wait3A_104 = tpu.memref_slice %arg16[%run_scoped3A_71, %dma_wait3A_103] : memref<6x4096xf32, #tpu.memory_space<vmem>> -> memref<1x4096xf32, #tpu.memory_space<vmem>>
      %dma_wait3A_105 = tpu.memref_squeeze %dma_wait3A_104 : memref<1x4096xf32, #tpu.memory_space<vmem>> -> memref<4096xf32, #tpu.memory_space<vmem>>
      %dma_wait3A_106 = tpu.memref_slice %arg7[%add3A_70] : memref<262144xf32, #tpu.memory_space<hbm>> -> memref<4096xf32, #tpu.memory_space<hbm>>
      tpu.wait_dma2 semaphore(%run_scoped3A_90 : memref<!tpu.dma_semaphore, #tpu.memory_space<semaphore_mem>>) src(%dma_wait3A_106 : memref<4096xf32, #tpu.memory_space<hbm>>) dst(%dma_wait3A_105 : memref<4096xf32, #tpu.memory_space<vmem>>)
      tpu.yield
    }) : () -> ()
    %add3A_72 = arith.constant 4096 : i32
    %add3A_73 = arith.addi %mul3A_2, %add3A_72 : i32
    %run_scoped3A_74 = arith.constant 3 : i32
    "tpu.region"() ({
      %run_scoped3A_90 = tpu.sem_alloc : memref<!tpu.dma_semaphore, #tpu.memory_space<semaphore_mem>>
      %dma_start3A_91 = arith.constant 0 : i32
      %dma_start3A_92 = tpu.memref_slice %arg16[%run_scoped3A_74, %dma_start3A_91] : memref<6x4096xf32, #tpu.memory_space<vmem>> -> memref<1x4096xf32, #tpu.memory_space<vmem>>
      %dma_start3A_93 = tpu.memref_squeeze %dma_start3A_92 : memref<1x4096xf32, #tpu.memory_space<vmem>> -> memref<4096xf32, #tpu.memory_space<vmem>>
      %dma_start3A_94 = tpu.memref_slice %arg8[%add3A_73] : memref<262144xf32, #tpu.memory_space<hbm>> -> memref<4096xf32, #tpu.memory_space<hbm>>
      %dma_start3A_95 = arith.constant 0 : i32
      %dma_start3A_96 = tpu.memref_slice %arg16[%run_scoped3A_74, %dma_start3A_95] : memref<6x4096xf32, #tpu.memory_space<vmem>> -> memref<1x4096xf32, #tpu.memory_space<vmem>>
      %dma_start3A_97 = tpu.memref_squeeze %dma_start3A_96 : memref<1x4096xf32, #tpu.memory_space<vmem>> -> memref<4096xf32, #tpu.memory_space<vmem>>
      %dma_start3A_98 = tpu.memref_slice %arg8[%add3A_73] : memref<262144xf32, #tpu.memory_space<hbm>> -> memref<4096xf32, #tpu.memory_space<hbm>>
      tpu.enqueue_dma source(%dma_start3A_98 : memref<4096xf32, #tpu.memory_space<hbm>>) target(%dma_start3A_97 : memref<4096xf32, #tpu.memory_space<vmem>>) target_semaphore(%run_scoped3A_90 : memref<!tpu.dma_semaphore, #tpu.memory_space<semaphore_mem>>)
      %dma_wait3A_99 = arith.constant 0 : i32
      %dma_wait3A_100 = tpu.memref_slice %arg16[%run_scoped3A_74, %dma_wait3A_99] : memref<6x4096xf32, #tpu.memory_space<vmem>> -> memref<1x4096xf32, #tpu.memory_space<vmem>>
      %dma_wait3A_101 = tpu.memref_squeeze %dma_wait3A_100 : memref<1x4096xf32, #tpu.memory_space<vmem>> -> memref<4096xf32, #tpu.memory_space<vmem>>
      %dma_wait3A_102 = tpu.memref_slice %arg8[%add3A_73] : memref<262144xf32, #tpu.memory_space<hbm>> -> memref<4096xf32, #tpu.memory_space<hbm>>
      %dma_wait3A_103 = arith.constant 0 : i32
      %dma_wait3A_104 = tpu.memref_slice %arg16[%run_scoped3A_74, %dma_wait3A_103] : memref<6x4096xf32, #tpu.memory_space<vmem>> -> memref<1x4096xf32, #tpu.memory_space<vmem>>
      %dma_wait3A_105 = tpu.memref_squeeze %dma_wait3A_104 : memref<1x4096xf32, #tpu.memory_space<vmem>> -> memref<4096xf32, #tpu.memory_space<vmem>>
      %dma_wait3A_106 = tpu.memref_slice %arg8[%add3A_73] : memref<262144xf32, #tpu.memory_space<hbm>> -> memref<4096xf32, #tpu.memory_space<hbm>>
      tpu.wait_dma2 semaphore(%run_scoped3A_90 : memref<!tpu.dma_semaphore, #tpu.memory_space<semaphore_mem>>) src(%dma_wait3A_106 : memref<4096xf32, #tpu.memory_space<hbm>>) dst(%dma_wait3A_105 : memref<4096xf32, #tpu.memory_space<vmem>>)
      tpu.yield
    }) : () -> ()
    %add3A_75 = arith.constant 4096 : i32
    %add3A_76 = arith.addi %mul3A_2, %add3A_75 : i32
    %run_scoped3A_77 = arith.constant 4 : i32
    "tpu.region"() ({
      %run_scoped3A_90 = tpu.sem_alloc : memref<!tpu.dma_semaphore, #tpu.memory_space<semaphore_mem>>
      %dma_start3A_91 = arith.constant 0 : i32
      %dma_start3A_92 = tpu.memref_slice %arg16[%run_scoped3A_77, %dma_start3A_91] : memref<6x4096xf32, #tpu.memory_space<vmem>> -> memref<1x4096xf32, #tpu.memory_space<vmem>>
      %dma_start3A_93 = tpu.memref_squeeze %dma_start3A_92 : memref<1x4096xf32, #tpu.memory_space<vmem>> -> memref<4096xf32, #tpu.memory_space<vmem>>
      %dma_start3A_94 = tpu.memref_slice %arg9[%add3A_76] : memref<262144xf32, #tpu.memory_space<hbm>> -> memref<4096xf32, #tpu.memory_space<hbm>>
      %dma_start3A_95 = arith.constant 0 : i32
      %dma_start3A_96 = tpu.memref_slice %arg16[%run_scoped3A_77, %dma_start3A_95] : memref<6x4096xf32, #tpu.memory_space<vmem>> -> memref<1x4096xf32, #tpu.memory_space<vmem>>
      %dma_start3A_97 = tpu.memref_squeeze %dma_start3A_96 : memref<1x4096xf32, #tpu.memory_space<vmem>> -> memref<4096xf32, #tpu.memory_space<vmem>>
      %dma_start3A_98 = tpu.memref_slice %arg9[%add3A_76] : memref<262144xf32, #tpu.memory_space<hbm>> -> memref<4096xf32, #tpu.memory_space<hbm>>
      tpu.enqueue_dma source(%dma_start3A_98 : memref<4096xf32, #tpu.memory_space<hbm>>) target(%dma_start3A_97 : memref<4096xf32, #tpu.memory_space<vmem>>) target_semaphore(%run_scoped3A_90 : memref<!tpu.dma_semaphore, #tpu.memory_space<semaphore_mem>>)
      %dma_wait3A_99 = arith.constant 0 : i32
      %dma_wait3A_100 = tpu.memref_slice %arg16[%run_scoped3A_77, %dma_wait3A_99] : memref<6x4096xf32, #tpu.memory_space<vmem>> -> memref<1x4096xf32, #tpu.memory_space<vmem>>
      %dma_wait3A_101 = tpu.memref_squeeze %dma_wait3A_100 : memref<1x4096xf32, #tpu.memory_space<vmem>> -> memref<4096xf32, #tpu.memory_space<vmem>>
      %dma_wait3A_102 = tpu.memref_slice %arg9[%add3A_76] : memref<262144xf32, #tpu.memory_space<hbm>> -> memref<4096xf32, #tpu.memory_space<hbm>>
      %dma_wait3A_103 = arith.constant 0 : i32
      %dma_wait3A_104 = tpu.memref_slice %arg16[%run_scoped3A_77, %dma_wait3A_103] : memref<6x4096xf32, #tpu.memory_space<vmem>> -> memref<1x4096xf32, #tpu.memory_space<vmem>>
      %dma_wait3A_105 = tpu.memref_squeeze %dma_wait3A_104 : memref<1x4096xf32, #tpu.memory_space<vmem>> -> memref<4096xf32, #tpu.memory_space<vmem>>
      %dma_wait3A_106 = tpu.memref_slice %arg9[%add3A_76] : memref<262144xf32, #tpu.memory_space<hbm>> -> memref<4096xf32, #tpu.memory_space<hbm>>
      tpu.wait_dma2 semaphore(%run_scoped3A_90 : memref<!tpu.dma_semaphore, #tpu.memory_space<semaphore_mem>>) src(%dma_wait3A_106 : memref<4096xf32, #tpu.memory_space<hbm>>) dst(%dma_wait3A_105 : memref<4096xf32, #tpu.memory_space<vmem>>)
      tpu.yield
    }) : () -> ()
    %add3A_78 = arith.constant 4096 : i32
    %add3A_79 = arith.addi %mul3A_2, %add3A_78 : i32
    %run_scoped3A_80 = arith.constant 5 : i32
    "tpu.region"() ({
      %run_scoped3A_90 = tpu.sem_alloc : memref<!tpu.dma_semaphore, #tpu.memory_space<semaphore_mem>>
      %dma_start3A_91 = arith.constant 0 : i32
      %dma_start3A_92 = tpu.memref_slice %arg16[%run_scoped3A_80, %dma_start3A_91] : memref<6x4096xf32, #tpu.memory_space<vmem>> -> memref<1x4096xf32, #tpu.memory_space<vmem>>
      %dma_start3A_93 = tpu.memref_squeeze %dma_start3A_92 : memref<1x4096xf32, #tpu.memory_space<vmem>> -> memref<4096xf32, #tpu.memory_space<vmem>>
      %dma_start3A_94 = tpu.memref_slice %arg10[%add3A_79] : memref<262144xf32, #tpu.memory_space<hbm>> -> memref<4096xf32, #tpu.memory_space<hbm>>
      %dma_start3A_95 = arith.constant 0 : i32
      %dma_start3A_96 = tpu.memref_slice %arg16[%run_scoped3A_80, %dma_start3A_95] : memref<6x4096xf32, #tpu.memory_space<vmem>> -> memref<1x4096xf32, #tpu.memory_space<vmem>>
      %dma_start3A_97 = tpu.memref_squeeze %dma_start3A_96 : memref<1x4096xf32, #tpu.memory_space<vmem>> -> memref<4096xf32, #tpu.memory_space<vmem>>
      %dma_start3A_98 = tpu.memref_slice %arg10[%add3A_79] : memref<262144xf32, #tpu.memory_space<hbm>> -> memref<4096xf32, #tpu.memory_space<hbm>>
      tpu.enqueue_dma source(%dma_start3A_98 : memref<4096xf32, #tpu.memory_space<hbm>>) target(%dma_start3A_97 : memref<4096xf32, #tpu.memory_space<vmem>>) target_semaphore(%run_scoped3A_90 : memref<!tpu.dma_semaphore, #tpu.memory_space<semaphore_mem>>)
      %dma_wait3A_99 = arith.constant 0 : i32
      %dma_wait3A_100 = tpu.memref_slice %arg16[%run_scoped3A_80, %dma_wait3A_99] : memref<6x4096xf32, #tpu.memory_space<vmem>> -> memref<1x4096xf32, #tpu.memory_space<vmem>>
      %dma_wait3A_101 = tpu.memref_squeeze %dma_wait3A_100 : memref<1x4096xf32, #tpu.memory_space<vmem>> -> memref<4096xf32, #tpu.memory_space<vmem>>
      %dma_wait3A_102 = tpu.memref_slice %arg10[%add3A_79] : memref<262144xf32, #tpu.memory_space<hbm>> -> memref<4096xf32, #tpu.memory_space<hbm>>
      %dma_wait3A_103 = arith.constant 0 : i32
      %dma_wait3A_104 = tpu.memref_slice %arg16[%run_scoped3A_80, %dma_wait3A_103] : memref<6x4096xf32, #tpu.memory_space<vmem>> -> memref<1x4096xf32, #tpu.memory_space<vmem>>
      %dma_wait3A_105 = tpu.memref_squeeze %dma_wait3A_104 : memref<1x4096xf32, #tpu.memory_space<vmem>> -> memref<4096xf32, #tpu.memory_space<vmem>>
      %dma_wait3A_106 = tpu.memref_slice %arg10[%add3A_79] : memref<262144xf32, #tpu.memory_space<hbm>> -> memref<4096xf32, #tpu.memory_space<hbm>>
      tpu.wait_dma2 semaphore(%run_scoped3A_90 : memref<!tpu.dma_semaphore, #tpu.memory_space<semaphore_mem>>) src(%dma_wait3A_106 : memref<4096xf32, #tpu.memory_space<hbm>>) dst(%dma_wait3A_105 : memref<4096xf32, #tpu.memory_space<vmem>>)
      tpu.yield
    }) : () -> ()
    %scan3A_81 = arith.constant 0 : i32
    %scan3A_82 = arith.constant 256 : i32
    %scan3A_83 = arith.addi %scan3A_81, %scan3A_82 : i32
    %scan3A_84 = arith.constant 1 : i32
    scf.for %scan3A_90 = %scan3A_81 to %scan3A_83 step %scan3A_84  : i32 {
      %mul3A_91 = arith.constant 1 : i32
      %mul3A_92 = arith.muli %scan3A_90, %mul3A_91 : i32
      %add3A_93 = arith.constant 0 : i32
      %add3A_94 = arith.addi %add3A_93, %mul3A_92 : i32
      %mul3A_95 = arith.constant 16 : i32
      %mul3A_96 = arith.muli %add3A_94, %mul3A_95 : i32
      %get3A = arith.constant 0 : i32
      %get3A_97 = arith.index_cast %get3A : i32 to index
      %get3A_98 = arith.index_cast %mul3A_96 : i32 to index
      %get3A_99 = tpu.vector_load %arg16[%get3A_97, %get3A_98] {strides = array<i32>} : memref<6x4096xf32, #tpu.memory_space<vmem>>, vector<16xf32>,
      %get3A_100 = arith.constant 1 : i32
      %get3A_101 = arith.index_cast %get3A_100 : i32 to index
      %get3A_102 = arith.index_cast %mul3A_96 : i32 to index
      %get3A_103 = tpu.vector_load %arg16[%get3A_101, %get3A_102] {strides = array<i32>} : memref<6x4096xf32, #tpu.memory_space<vmem>>, vector<16xf32>,
      %get3A_104 = arith.constant 2 : i32
      %get3A_105 = arith.index_cast %get3A_104 : i32 to index
      %get3A_106 = arith.index_cast %mul3A_96 : i32 to index
      %get3A_107 = tpu.vector_load %arg16[%get3A_105, %get3A_106] {strides = array<i32>} : memref<6x4096xf32, #tpu.memory_space<vmem>>, vector<16xf32>,
      %get3A_108 = arith.constant 3 : i32
      %get3A_109 = arith.index_cast %get3A_108 : i32 to index
      %get3A_110 = arith.index_cast %mul3A_96 : i32 to index
      %get3A_111 = tpu.vector_load %arg16[%get3A_109, %get3A_110] {strides = array<i32>} : memref<6x4096xf32, #tpu.memory_space<vmem>>, vector<16xf32>,
      %get3A_112 = arith.constant 4 : i32
      %get3A_113 = arith.index_cast %get3A_112 : i32 to index
      %get3A_114 = arith.index_cast %mul3A_96 : i32 to index
      %get3A_115 = tpu.vector_load %arg16[%get3A_113, %get3A_114] {strides = array<i32>} : memref<6x4096xf32, #tpu.memory_space<vmem>>, vector<16xf32>,
      %get3A_116 = arith.constant 5 : i32
      %get3A_117 = arith.index_cast %get3A_116 : i32 to index
      %get3A_118 = arith.index_cast %mul3A_96 : i32 to index
      %get3A_119 = tpu.vector_load %arg16[%get3A_117, %get3A_118] {strides = array<i32>} : memref<6x4096xf32, #tpu.memory_space<vmem>>, vector<16xf32>,
      %add3A_120 = arith.constant 4096 : i32
      %add3A_121 = arith.addi %add3A_120, %mul3A_96 : i32
      %add3A_122 = vector.broadcast %add3A_121 : i32 to vector<16xi32>
      %add3A_123 = arith.addi %add3A_122, %iota3A_38 : vector<16xi32>
      %add3A_124 = arith.constant 5.000000e-01 : f32
      %add3A_125 = vector.broadcast %add3A_124 : f32 to vector<16xf32>
      %add3A_126 = arith.addf %get3A_119, %add3A_125 : vector<16xf32>
      %mul3A_127 = arith.constant 1.000000e+00 : f32
      %mul3A_128 = vector.broadcast %mul3A_127 : f32 to vector<16xf32>
      %mul3A_129 = arith.mulf %add3A_126, %mul3A_128 : vector<16xf32>
      %add3A_130 = arith.constant -5.000000e+01 : f32
      %add3A_131 = vector.broadcast %add3A_130 : f32 to vector<16xf32>
      %add3A_132 = arith.addf %mul3A_129, %add3A_131 : vector<16xf32>
      %sub3A = arith.subf %get3A_99, %add3A_132 : vector<16xf32>
      tpu.vector_store_idx %arg17[%add3A_123, %broadcast_in_dim3A_40], %sub3A : memref<8192x8xf32, #tpu.memory_space<vmem>>[vector<16xi32>, vector<16xi32>], vector<16xf32>,
      %add3A_133 = arith.constant 1 : i32
      %add3A_134 = vector.broadcast %add3A_133 : i32 to vector<16xi32>
      %add3A_135 = arith.addi %broadcast_in_dim3A_40, %add3A_134 : vector<16xi32>
      %add3A_136 = arith.constant 5.000000e-01 : f32
      %add3A_137 = vector.broadcast %add3A_136 : f32 to vector<16xf32>
      %add3A_138 = arith.addf %get3A_115, %add3A_137 : vector<16xf32>
      %mul3A_139 = arith.constant 1.000000e+00 : f32
      %mul3A_140 = vector.broadcast %mul3A_139 : f32 to vector<16xf32>
      %mul3A_141 = arith.mulf %add3A_138, %mul3A_140 : vector<16xf32>
      %add3A_142 = arith.constant -5.000000e+01 : f32
      %add3A_143 = vector.broadcast %add3A_142 : f32 to vector<16xf32>
      %add3A_144 = arith.addf %mul3A_141, %add3A_143 : vector<16xf32>
      %sub3A_145 = arith.subf %get3A_103, %add3A_144 : vector<16xf32>
      tpu.vector_store_idx %arg17[%add3A_123, %add3A_135], %sub3A_145 : memref<8192x8xf32, #tpu.memory_space<vmem>>[vector<16xi32>, vector<16xi32>], vector<16xf32>,
      %add3A_146 = arith.constant 2 : i32
      %add3A_147 = vector.broadcast %add3A_146 : i32 to vector<16xi32>
      %add3A_148 = arith.addi %broadcast_in_dim3A_40, %add3A_147 : vector<16xi32>
      %add3A_149 = arith.constant 5.000000e-01 : f32
      %add3A_150 = vector.broadcast %add3A_149 : f32 to vector<16xf32>
      %add3A_151 = arith.addf %get3A_111, %add3A_150 : vector<16xf32>
      %mul3A_152 = arith.constant 8.000000e-02 : f32
      %mul3A_153 = vector.broadcast %mul3A_152 : f32 to vector<16xf32>
      %mul3A_154 = arith.mulf %add3A_151, %mul3A_153 : vector<16xf32>
      %add3A_155 = arith.constant -5.000000e+00 : f32
      %add3A_156 = vector.broadcast %add3A_155 : f32 to vector<16xf32>
      %add3A_157 = arith.addf %mul3A_154, %add3A_156 : vector<16xf32>
      %sub3A_158 = arith.subf %get3A_107, %add3A_157 : vector<16xf32>
      tpu.vector_store_idx %arg17[%add3A_123, %add3A_148], %sub3A_158 : memref<8192x8xf32, #tpu.memory_space<vmem>>[vector<16xi32>, vector<16xi32>], vector<16xf32>,
    }
    %scan3A_85 = arith.constant 256 : i32
    %dma_start3A = arith.constant 0 : i32
    %dma_start3A_86 = arith.constant 0 : i32
    %dma_start3A_87 = tpu.memref_slice %arg11[%dma_start3A, %dma_start3A_86] : memref<262144x8xf32, #tpu.memory_space<hbm>> -> memref<262144x8xf32, #tpu.memory_space<hbm>>
    tpu.enqueue_indirect_dma source(%arg17 : memref<8192x8xf32, #tpu.memory_space<vmem>>) target(%dma_start3A_87 : memref<262144x8xf32, #tpu.memory_space<hbm>>) offsets(%arg15 : memref<8192xi32, #tpu.memory_space<vmem>>) semaphore(%arg18 : memref<!tpu.dma_semaphore, #tpu.memory_space<semaphore_mem>>)
    %dma_wait3A = arith.constant 0 : i32
    %dma_wait3A_88 = arith.constant 0 : i32
    %dma_wait3A_89 = tpu.memref_slice %arg11[%dma_wait3A, %dma_wait3A_88] : memref<262144x8xf32, #tpu.memory_space<hbm>> -> memref<262144x8xf32, #tpu.memory_space<hbm>>
    tpu.wait_indirect_dma semaphore(%arg18 : memref<!tpu.dma_semaphore, #tpu.memory_space<semaphore_mem>>) src(%arg17 : memref<8192x8xf32, #tpu.memory_space<vmem>>) dst(%dma_wait3A_89 : memref<262144x8xf32, #tpu.memory_space<hbm>>)
    return
  }
}

module attributes {stable_mosaic.version = 14 : i64} {
  func.func @_flags_body(%arg0: i32, %arg1: memref<1x1xf32, #tpu.memory_space<smem>>, %arg2: memref<4096x128xf32, #tpu.memory_space<vmem>>, %arg3: memref<4096xi32, #tpu.memory_space<vmem>>) attributes {dimension_semantics = [#tpu.dimension_semantics<arbitrary>], iteration_bounds = array<i64: 16>, scalar_prefetch = 0 : i64, scratch_operands = 0 : i64, tpu.core_type = #tpu.core_type<tc>, window_params = [{transform_indices = @transform_0, window_bounds = array<i64: 1, 1>}, {transform_indices = @transform_1, window_bounds = array<i64: 4096, 128>}, {transform_indices = @transform_2, window_bounds = array<i64: 4096>}]} {
    %get3A = arith.constant 0 : index
    %get3A_0 = arith.constant 0 : index
    %get3A_1 = memref.load %arg1[%get3A, %get3A_0] : memref<1x1xf32, #tpu.memory_space<smem>>
    %get3A_2 = arith.constant 0 : index
    %get3A_3 = arith.constant 0 : index
    %get3A_4 = vector.load %arg2[%get3A_2, %get3A_3] : memref<4096x128xf32, #tpu.memory_space<vmem>>, vector<4096x128xf32>
    %eq3A = vector.broadcast %get3A_1 : f32 to vector<4096x128xf32>
    %eq3A_5 = arith.cmpf oeq, %get3A_4, %eq3A : vector<4096x128xf32>
    %reduce_and3A = arith.constant 1.000000e+00 : f32
    %reduce_and3A_6 = arith.constant 0.000000e+00 : f32
    %reduce_and3A_7 = vector.broadcast %reduce_and3A : f32 to vector<4096x128xf32>
    %reduce_and3A_8 = vector.broadcast %reduce_and3A_6 : f32 to vector<4096x128xf32>
    %reduce_and3A_9 = arith.select %eq3A_5, %reduce_and3A_7, %reduce_and3A_8 : vector<4096x128xi1>, vector<4096x128xf32>
    %reduce_and3A_10 = arith.constant dense<0x7F800000> : vector<4096xf32>
    %reduce_and3A_11 = vector.multi_reduction <minimumf>, %reduce_and3A_9, %reduce_and3A_10 [1] : vector<4096x128xf32> to vector<4096xf32>
    %reduce_and3A_12 = arith.constant 0.000000e+00 : f32
    %reduce_and3A_13 = vector.broadcast %reduce_and3A_12 : f32 to vector<4096xf32>
    %reduce_and3A_14 = arith.cmpf ogt, %reduce_and3A_11, %reduce_and3A_13 : vector<4096xf32>
    %convert_element_type3A = arith.extui %reduce_and3A_14 : vector<4096xi1> to vector<4096xi32>
    %swap3A = arith.constant 0 : index
    %swap3A_15 = vector.load %arg3[%swap3A] : memref<4096xi32, #tpu.memory_space<vmem>>, vector<4096xi32>
    tpu.vector_store %arg3[%swap3A], %convert_element_type3A {strides = array<i32>} : memref<4096xi32, #tpu.memory_space<vmem>>, vector<4096xi32>,
    return
  }
  func.func @transform_0(%arg0: i32) -> (i32, i32) {
    %c0_i32 = arith.constant 0 : i32
    %c0_i32_0 = arith.constant 0 : i32
    %c0_i32_1 = arith.constant 0 : i32
    return %c0_i32, %c0_i32_0 : i32, i32
  }
  func.func @transform_1(%arg0: i32) -> (i32, i32) {
    %c0_i32 = arith.constant 0 : i32
    %c0_i32_0 = arith.constant 0 : i32
    return %arg0, %c0_i32 : i32, i32
  }
  func.func @transform_2(%arg0: i32) -> i32 {
    %c0_i32 = arith.constant 0 : i32
    return %arg0 : i32
  }
}

module attributes {stable_mosaic.version = 14 : i64} {
  func.func @_assemble_body(%arg0: i32, %arg1: memref<8192x128xf32, #tpu.memory_space<vmem>>, %arg2: memref<8192x8xf32, #tpu.memory_space<vmem>>, %arg3: memref<131x8192xf32, #tpu.memory_space<vmem>>) attributes {dimension_semantics = [#tpu.dimension_semantics<arbitrary>], iteration_bounds = array<i64: 32>, scalar_prefetch = 0 : i64, scratch_operands = 0 : i64, tpu.core_type = #tpu.core_type<tc>, window_params = [{transform_indices = @transform_0, window_bounds = array<i64: 8192, 128>}, {transform_indices = @transform_1, window_bounds = array<i64: 8192, 8>}, {transform_indices = @transform_2, window_bounds = array<i64: 131, 8192>}]} {
    %get3A = arith.constant 0 : index
    %get3A_0 = arith.constant 0 : index
    %get3A_1 = vector.load %arg1[%get3A, %get3A_0] : memref<8192x128xf32, #tpu.memory_space<vmem>>, vector<8192x128xf32>
    %get3A_2 = arith.constant 0 : index
    %get3A_3 = arith.constant 0 : index
    %get3A_4 = vector.load %arg2[%get3A_2, %get3A_3] : memref<8192x8xf32, #tpu.memory_space<vmem>>, vector<8192x3xf32>
    %concatenate3A = tpu.concatenate %get3A_1, %get3A_4 in 1 : vector<8192x128xf32>, vector<8192x3xf32> -> vector<8192x131xf32>
    %transpose3A = tpu.transpose %concatenate3A, [1, 0] : vector<8192x131xf32> -> vector<131x8192xf32>
    %swap3A = arith.constant 0 : index
    %swap3A_5 = arith.constant 0 : index
    %swap3A_6 = vector.load %arg3[%swap3A, %swap3A_5] : memref<131x8192xf32, #tpu.memory_space<vmem>>, vector<131x8192xf32>
    tpu.vector_store %arg3[%swap3A, %swap3A_5], %transpose3A {strides = array<i32>} : memref<131x8192xf32, #tpu.memory_space<vmem>>, vector<131x8192xf32>,
    return
  }
  func.func @transform_0(%arg0: i32) -> (i32, i32) {
    %c0_i32 = arith.constant 0 : i32
    %c0_i32_0 = arith.constant 0 : i32
    return %arg0, %c0_i32 : i32, i32
  }
  func.func @transform_1(%arg0: i32) -> (i32, i32) {
    %c0_i32 = arith.constant 0 : i32
    %c0_i32_0 = arith.constant 0 : i32
    return %arg0, %c0_i32 : i32, i32
  }
  func.func @transform_2(%arg0: i32) -> (i32, i32) {
    %c0_i32 = arith.constant 0 : i32
    %c0_i32_0 = arith.constant 0 : i32
    return %c0_i32, %arg0 : i32, i32
  }
}

</mosaic_0001>

<sc_bundles>
// kernel: kernel.10.cloned.1.call-start
scs
__scs_entry_jumppad:
0x0: {  	(pc) =	sbr.rel $0x88, $3  }
0x1: {  	(tag) =	ssettag $0x0;
	lr =	simm.s32 $0x1  }
0x2: {  	[smem:$0x3F9C] =	sst lr;
	_ =	strace $0xD0000000  }
0x3: {  	_ = 	snop  }
0x4: {  	_ = 	snop  }
0x5: {  	_ = 	snop  }
0x6: {  	_ = 	snop  }
0x7: {  	_ = 	snop  }
__scs_overlays_trampoline_lowered:
0x8: {  	[smem:$0x3FAB] =	sst s0  }
0x9: {  	[smem:$0x3FAC] =	sst s1  }
0xa: {  	[smem:$0x3FAD] =	sst s2  }
0xb: {  	[smem:$0x3FAE] =	sst s3  }
0xc: {  	[smem:$0x3FAF] =	sst s4  }
0xd: {  	[smem:$0x3FB0] =	sst s5  }
0xe: {  	[smem:$0x3FB1] =	sst s6  }
0xf: {  	[smem:$0x3FB2] =	sst s7  }
0x10: {  	[smem:$0x3FB3] =	sst s8  }
0x11: {  	[smem:$0x3FB4] =	sst s9;
	s0 =	simm.s32 @!p0 $0x0  }
0x12: {  	s1 =	sld [smem:$0x3F9A];
	s0 =	simm.s32 @p0 $0x1  }
0x13: {  	[smem:$0x3FB5] =	sst s0;
	s0 =	simm.s32 @!p1 $0x0  }
0x14: {  	s2 =	sld [smem:$0x3F99];
	s0 =	simm.s32 @p1 $0x1  }
0x15: {  	[smem:$0x3FB6] =	sst s0;
	s0 =	simm.s32 @!p2 $0x0  }
0x16: {  	s3 =	sld [smem:$0x3FDB];
	s0 =	simm.s32 @p2 $0x1  }
0x17: {  	s4 =	simm.s32 $0x1BF5;
	[smem:$0x3FB8] =	sst s0  }
0x18: {  	s0 =	sld [smem:$0x3F9B];
	_ =	swait.ge [sflag:s4], $0x0  }
0x19: {  	s7 =	sld [smem:$0x3F9C]  }
0x1a: {  	s8 =	sadd.s32 $0xFFFFE003, lr  }
0x1b: {  	s9 =	sadd.s32 $0xFFFFFEF7, lr;
	s5 =	simm.s32 $0xFFFFFFFF;
	p2 =	slt.u32 s8, $0xFFFFF086  }
0x1c: {  	p1 =	slt.u32 s9, $0xF7A;
	s5 =	simm.s32 @!p2 $0x0  }
0x1d: {  	s5 =	simm.s32 @p1 $0x1;
	p0 =	seq.s32 s7, s2  }
0x1e: {  	s7 =	smul.u32 @!p0 $0xF7A, s2;
	p2 =	seq.s32 @!p0 s5, $0x0  }
0x1f: {  	s9 =	smul.u32 $0xF7A, s1;
	s8 =	simm.s32 @!p0 $0x1BF5;
	p2 =	por !p2, p0  }
0x20: {  	[sflag:s8] =	ssyncset.s32 @!p0 $0xFFFFF086;
	s6 =	sadd.s32 @!p0 s3, s7;
	s7 =	simm.s32 @!p0 $0x108  }
0x21: {  	s3 =	sadd.s32 s3, s9;
	s6 =	sadd.s32 @!p0 $0x88, s6;
	s7 =	simm.s32 @p2 $0x1082  }
0x22: {  	[simem:s7], [sflag:s8] =	dma.local @!p0 [hbm:s6], $0xF7A  }
0x23: {  	s9 =	sor.u32 $0xD0000000, s2;
	s6 =	simm.s32 $0x108;
	_ =	swait.ge @!p0 [sflag:s8], $0x0  }
0x24: {  	s3 =	sadd.s32 $0x88, s3;
	s6 =	simm.s32 @!p1 $0x1082;
	[sflag:s4] =	ssyncset.s32 $0xFFFFF086  }
0x25: {  	[simem:s6], [sflag:s4] =	dma.local [hbm:s3], $0xF7A  }
0x26: {  	[smem:$0x3F9C] =	sst s1;
	(tag) =	ssettag s2;
	_ =	strace s9  }
0x27: {  	s1 =	sld [smem:$0x3FAC]  }
0x28: {  	s2 =	sld [smem:$0x3FAD]  }
0x29: {  	s4 =	sld [smem:$0x3FAF]  }
0x2a: {  	p0 =	seq.s32 s5, $0x0;
	s5 =	sld [smem:$0x3FB0]  }
0x2b: {  	s6 =	sld [smem:$0x3FB1]  }
0x2c: {  	s7 =	sld [smem:$0x3FB2]  }
0x2d: {  	s3 =	simm.s32 $0x108;
	s8 =	sld [smem:$0x3FB3]  }
0x2e: {  	s3 =	simm.s32 @!p0 $0x1082;
	s9 =	sld [smem:$0x3FB4]  }
0x2f: {  	lr =	sadd.s32 s0, s3;
	s0 =	sld [smem:$0x3FAB]  }
0x30: {  	s3 =	sld [smem:$0x3FAE]  }
0x31: {  	[smem:$0x3FB7] =	sst s10  }
0x32: {  	s10 =	sld [smem:$0x3FB5];
	_ =	sdelay $0x3  }
0x33: {  	p0 =	seq.s32 s10, $0x1;
	s10 =	sld [smem:$0x3FB7];
	_ =	sdelay $0x3  }
0x34: {  	[smem:$0x3FB7] =	sst s10  }
0x35: {  	s10 =	sld [smem:$0x3FB6];
	_ =	sdelay $0x3  }
0x36: {  	p1 =	seq.s32 s10, $0x1;
	s10 =	sld [smem:$0x3FB7];
	_ =	sdelay $0x3  }
0x37: {  	[smem:$0x3FB7] =	sst s10  }
0x38: {  	s10 =	sld [smem:$0x3FB8]  }
0x39: {  	_ = 	snop;
	(pc) =	sbr.ind lr, $3  }
0x3a: {  	_ = 	snop  }
0x3b: {  	_ = 	snop  }
0x3c: {  	p2 =	seq.s32 s10, $0x1;
	s10 =	sld [smem:$0x3FB7]  }
0x3d: {  	_ =	shalt  }
0x3e: {  	_ =	shalt  }
0x3f: {  	_ =	shalt  }
0x40: {  	_ =	shalt  }
0x41: {  	_ =	shalt  }
0x42: {  	_ =	shalt  }
0x43: {  	_ =	shalt  }
0x44: {  	_ =	shalt  }
0x45: {  	_ =	shalt  }
0x46: {  	_ =	shalt  }
0x47: {  	_ =	shalt  }
0x48: {  	_ =	shalt  }
0x49: {  	_ =	shalt  }
0x4a: {  	_ =	shalt  }
0x4b: {  	_ =	shalt  }
0x4c: {  	_ =	shalt  }
0x4d: {  	_ =	shalt  }
0x4e: {  	_ =	shalt  }
0x4f: {  	_ =	shalt  }
0x50: {  	_ =	shalt  }
0x51: {  	_ =	shalt  }
0x52: {  	_ =	shalt  }
0x53: {  	_ =	shalt  }
0x54: {  	_ =	shalt  }
0x55: {  	_ =	shalt  }
0x56: {  	_ =	shalt  }
0x57: {  	_ =	shalt  }
0x58: {  	_ =	shalt  }
0x59: {  	_ =	shalt  }
0x5a: {  	_ =	shalt  }
0x5b: {  	_ =	shalt  }
0x5c: {  	_ =	shalt  }
0x5d: {  	_ =	shalt  }
0x5e: {  	_ =	shalt  }
0x5f: {  	_ =	shalt  }
0x60: {  	_ =	shalt  }
0x61: {  	_ =	shalt  }
0x62: {  	_ =	shalt  }
0x63: {  	_ =	shalt  }
0x64: {  	_ =	shalt  }
0x65: {  	_ =	shalt  }
0x66: {  	_ =	shalt  }
0x67: {  	_ =	shalt  }
0x68: {  	_ =	shalt  }
0x69: {  	_ =	shalt  }
0x6a: {  	_ =	shalt  }
0x6b: {  	_ =	shalt  }
0x6c: {  	_ =	shalt  }
0x6d: {  	_ =	shalt  }
0x6e: {  	_ =	shalt  }
0x6f: {  	_ =	shalt  }
0x70: {  	_ =	shalt  }
0x71: {  	_ =	shalt  }
0x72: {  	_ =	shalt  }
0x73: {  	_ =	shalt  }
0x74: {  	_ =	shalt  }
0x75: {  	_ =	shalt  }
0x76: {  	_ =	shalt  }
0x77: {  	_ =	shalt  }
0x78: {  	_ =	shalt  }
0x79: {  	_ =	shalt  }
0x7a: {  	_ =	shalt  }
0x7b: {  	_ =	shalt  }
0x7c: {  	_ =	shalt  }
0x7d: {  	_ =	shalt  }
0x7e: {  	_ =	shalt  }
0x7f: {  	_ =	shalt  }
0x80: {  	_ =	shalt  }
0x81: {  	_ =	shalt  }
0x82: {  	_ =	shalt  }
0x83: {  	_ =	shalt  }
0x84: {  	_ =	shalt  }
0x85: {  	_ =	shalt  }
0x86: {  	_ =	shalt  }
0x87: {  	_ =	shalt  }
.Lfunc_end0:
.L_simem_size_0:
called_computation.1_lowered:
.L_overlay_start_0:
0x88: {  	s2 =	sld [smem:$0x3FD9]  }
0x89: {  	s3 =	sld [smem:$0x3FFE];
	_ =	sdelay $0x1  }
0x8a: {  	s1 =	srdreg.scid  }
0x8b: {  	s0 =	sand.u32 $0x1, s1  }
0x8c: {  	s14 =	sshll.u32 s0, $0xA;
	s2 =	sadd.s32 s3, s2  }
0x8d: {  	s2 =	sadd.s32 s2, s14  }
0x8e: {  	[smem:$0x3FC3] =	sst s2  }
0x8f: {  	_ = 	snop  }
0x90: {  	s2 =	sld [smem:$0x3FD0];
	_ =	sdelay $0x2  }
0x91: {  	s15 =	simm.s32 $0xB;
	s4 =	simm.s32 $0x10  }
0x92: {  	[smem:s4], [sflag:s15] =	dma.local [hbm:s2], $0x1  }
0x93: {  	_ =	swait.eq [sflag:s15], $0x1  }
0x94: {  	[sflag:s15] =	ssyncset.done $0x0  }
0x95: {  	[sflag:s15] =	ssyncadd.s32 $0xFFFFFFFF  }
0x96: {  	s16 =	sld [smem:$0x10];
	(tm) =	ssettm $0x1  }
0x97: {  	s17 =	sld [smem:$0x3FFB];
	_ =	sdelay $0x3  }
0x98: {  	_ =	strace s17  }
0x99: {  	s3 =	sld [smem:$0x3FFC];
	_ =	sdelay $0x3  }
0x9a: {  	_ =	strace s3  }
0x9b: {  	s3 =	sld [smem:$0x3FFD];
	_ =	sdelay $0x3  }
0x9c: {  	_ =	strace s3  }
0x9d: {  	_ =	strace $0x8FFFFFFF  }
0x9e: {  	s18 =	sld [smem:$0x3FDB];
	_ =	sdelay $0x1  }
0x9f: {  	s19 =	simm.s32 $_scs_section_size  }
0xa0: {  	s5 =	simm.s32 $_size__tile_overlayer_lowered;
	s6 =	simm.s32 $_tile_overlayer_lowered  }
0xa1: {  	s22 =	simm.s32 $0x1BFF;
	s21 =	sshll.u32 s6, $0x1;
	s3 =	sadd.s32 s19, s18  }
0xa2: {  	s7 =	simm.s32 $0x0;
	s20 =	sshll.u32 s5, $0x1;
	s5 =	sadd.s32 s21, s3  }
0xa3: {  	[timem:s7], [sflag:s22] =	dma.local [hbm:s5], s20  }
0xa4: {  	_ =	swait.ge [sflag:s22], s20  }
0xa5: {  	s4 =	ssub.s32 $0x0, s20;
	[sflag:s22] =	ssyncset.done $0x0  }
0xa6: {  	[sflag:s22] =	ssyncadd.s32 s4;
	_ =	sdelay $0x1  }
0xa7: {  	s23 =	simm.s32 $0x1B8B  }
0xa8: {  	_ =	swait.ge [sflag:s23], $0x1  }
0xa9: {  	[sflag:s23] =	ssyncset.done $0x0  }
0xaa: {  	s25 =	simm.s32 $0x1B8E;
	s24 =	sld [smem:$0x3FFE];
	[sflag:s23] =	ssyncadd.s32 $0xFFFFFFFF  }
0xab: {  	s26 =	simm.s32 $execute0_lowered;
	[smem:$0x3FD2] =	sst s25  }
0xac: {  	s5 =	sshll.u32 s26, $0x1;
	_ =	strace $0x80000049;
	[dreg:$0x1] =	wrdreg $0xFFFFFFFF  }
0xad: {  	s28 =	simm.s32 $_size_execute0_lowered;
	s3 =	sadd.s32 s3, s5;
	[dreg:$0x0] =	wrdreg $0x0  }
0xae: {  	s5 =	sshll.u32 s28, $0x1;
	[dreg:$0x2] =	wrdreg s3  }
0xaf: {  	[dreg:$0x3] =	wrdreg s5  }
0xb0: {  	[dreg:$0x4] =	wrdreg $0xC0  }
0xb1: {  	_ =	task [dreg:s7], $0x5FFFF  }
0xb2: {  	[dreg:$0x1] =	wrdreg $0xFFFFFFFF  }
0xb3: {  	[dreg:$0x0] =	wrdreg $0x60  }
0xb4: {  	[dreg:$0x2] =	wrdreg s24  }
0xb5: {  	[dreg:$0x3] =	wrdreg s16  }
0xb6: {  	[dreg:$0x4] =	wrdreg $0x9  }
0xb7: {  	_ =	task.clear_ibuf [dreg:s7], $0x5FFFF;
	_ =	strace $0x90000049  }
0xb8: {  	s29 =	simm.s32 $0x9;
	_ =	strace $0x8000004B  }
0xb9: {  	_ =	swait.ge [sflag:s29], $0x1  }
0xba: {  	[sflag:s29] =	ssyncadd.s32 $0xFFFFFFFF  }
0xbb: {  	_ =	strace $0x9000004B  }
0xbc: {  	_ =	sfence  }
0xbd: {  	s30 =	sld [smem:$0x0];
	_ =	sdelay $0x2  }
0xbe: {  	s31 =	sshll.u32 s1, $0xD;
	s1 =	sshrl.u32 s1, $0x2  }
0xbf: {  	s3 =	sand.u32 $0x4000, s31;
	s1 =	sadd.s32 s1, s30  }
0xc0: {  	s0 =	sor.u32 s3, s0;
	s1 =	sshll.u32 s1, $0x11  }
0xc1: {  	s0 =	sor.u32 s1, s0  }
0xc2: {  	s0 =	sadd.s32 $0x8F2B, s0  }
0xc3: {  	[sflag:s0] =	ssyncadd.remote.s32 $0x1  }
0xc4: {  	_ =	sfence.sel $0xFFFF  }
0xc5: {  	[dreg:$0x0] =	wrdreg $0xFFFFFFFF;
	(pc) =	sbr.abs _section_cstart, $3  }
0xc6: {  	[dreg:$0x1] =	wrdreg $0xFFFFFFFF  }
0xc7: {  	_ =	task.clear_ibuf [dreg:s7], $0x2FFFF;
	_ =	strace $0x9FFFFFFF  }
0xc8: {  	(tm) =	ssettm $0x7FFFFFFF  }
0xc9: {  	_ =	shalt  }
tec
execute0_lowered:
.L_overlay_start_1:
0x0: {  	(tag) =	ssettag $0x1  }
0x1: {  	s0 =	rddreg [dreg:$0x0]  }
0x2: {  	s1 =	srdreg.scid;
	s3 =	simm.s32 $0x0;
	s18 =	stileid.u32  }
0x3: {  	s21 =	simm.s32 $0x2;
	s22 =	simm.s32 $0x2000;
	s28 =	simm.s32 $0xB000  }
0x4: {  	s29 =	simm.s32 $0xC000;
	s30 =	simm.s32 $0xD000;
	s1 =	sand.u32 $0x1, s1  }
0x5: {  	[smem:$0x7FF] =	sst s3;
	s6 =	sadd.s32 $0x11C00, s0;
	s13 =	sadd.s32 $0x21E00, s0  }
0x6: {  	s14 =	sadd.s32 $0x19E00, s0;
	s15 =	sadd.s32 $0x11E00, s0;
	s16 =	sadd.s32 $0x39E00, s0  }
0x7: {  	s17 =	sadd.s32 $0x31E00, s0;
	s31 =	sshll.u32 s18, $0xD;
	s2 =	sshll.u32 s1, $0x4  }
0x8: {  	_ =	strace $0x8000004A;
	[dreg:$0x3] =	wrdreg s6;
	s23 =	ssub.s32 $0x2, s1  }
0x9: {  	s1 =	sshll.u32 s1, $0x11;
	s2 =	sor.u32 s18, s2;
	s7 =	sshrl.u32 s23, $0x1  }
0xa: {  	s4 =	sshll.u32 s2, $0xA;
	s19 =	ssub.s32 s23, s7;
	s23 =	simm.s32 $0x4000  }
0xb: {  	v2 =	vmov s2;
	s2 =	simm.s32 $0x0;
	s5 =	sadd.s32 s4, s0;
	s0 =	sadd.s32 $0x29E00, s0  }
0xc: {  	s25 =	sadd.s32 s13, s4;
	s8 =	sadd.s32 s14, s4;
	s9 =	sadd.s32 s15, s4  }
0xd: {  	s10 =	sadd.s32 s16, s4;
	s26 =	sor.u32 $0x200, s4;
	s11 =	sadd.s32 s17, s4  }
0xe: {  	s19 =	smax.u32 s19, $0x1;
	s24 =	sadd.s32 $0x1C00, s5;
	s5 =	sadd.s32 $0x9C00, s5  }
0xf: {  	[dreg:$0x6] =	wrdreg s25;
	s12 =	sadd.s32 s0, s4;
	s13 =	sadd.s32 s13, s26  }
0x10: {  	v0 =	vlaneseq.u32;
	s14 =	sadd.s32 s14, s26;
	s15 =	sadd.s32 s15, s26;
	s16 =	sadd.s32 s16, s26  }
0x11: {  	v3 =	vor.u32 $0x10, v0;
	v1 =	vmul.u32 $0x80, v0;
	s17 =	sadd.s32 s17, s26;
	s18 =	sadd.s32 s0, s26;
	s25 =	simm.s32 $0x9000  }
0x12: {  	vm0 =	vgt.u32 v2, v3;
	s26 =	simm.s32 $0xA000;
	s0 =	simm.s32 $0x1;
	[dreg:$0x4] =	wrdreg s24  }
0x13: {  	vm1 =	vgt.u32 v2, v0;
	v2 =	vor.u32 $0x800, v1;
	v3 =	vmul.u32 $0x8, v0;
	[dreg:$0x5] =	wrdreg s5;
	s5 =	sor.u32 s31, s1;
	s24 =	simm.s32 $0x8000  }
.LBB2_1:
0x14: {  	s1 =	rddreg [dreg:$0x4]  }
0x15: {  	[tilespmem:s3], [sflag:$0x2] =	stream.linear.gather [hbm4b:s1+s3], $0x2000, $0x38;
	[tilespmem:$0x1D000] =	vst v63  }
0x16: {  	_ =	swait.ge [sflag:s21], $0x2000  }
0x17: {  	[sflag:s21] =	ssyncset.done $0x0  }
0x18: {  	s20 =	rddreg [dreg:$0x5];
	[sflag:s21] =	ssyncadd.s32 $0xFFFFE000  }
0x19: {  	[tilespmem:s22], [sflag:$0x2] =	stream.linear.gather [hbm4b:s20+s3], $0x2000, $0x38;
	[tilespmem:$0x1D000] =	vst v63  }
0x1a: {  	_ =	swait.ge [sflag:s21], $0x2000  }
0x1b: {  	[sflag:s21] =	ssyncset.done $0x0  }
0x1c: {  	s4 =	rddreg [dreg:$0x3];
	[sflag:s21] =	ssyncadd.s32 $0xFFFFE000  }
0x1d: {  	[tilespmem:s23], [sflag:$0x2] =	stream.linear.gather [hbm4b:s4+s3], $0x1000, $0x38;
	[tilespmem:$0x1D000] =	vst v63  }
0x1e: {  	_ =	swait.ge [sflag:s21], $0x1000  }
0x1f: {  	[sflag:s21] =	ssyncset.done $0x0  }
0x20: {  	[sflag:s21] =	ssyncadd.s32 $0xFFFFF000  }
0x21: {  	v4 =	vld.idx.msk [tilespmem:v1+s23+$0x0], $0xffff  }
0x22: {  	v5 =	vld.idx.msk [tilespmem:v2+s23+$0x0], $0xffff;
	_ =	sdelay $0x3  }
0x23: {  	v6 =	vnsel vm1, $0x0, v4  }
0x24: {  	(xrf0) =	vadd.scan.msk.s32 $0xffff, v6;
	v6 =	vnsel vm0, $0x0, v5  }
0x25: {  	(xrf0) =	vadd.scan.msk.s32 $0xffff, v6  }
0x26: {  	(xrf0) =	vadd.scan.msk.s32 $0xffff, v4  }
0x27: {  	(xrf0) =	vadd.scan.msk.s32 $0xffff, v5;
	_ =	sdelay $0x2  }
0x28: {  	v4, _, _ =	vpop (xrf0)  }
0x29: {  	v5, _, _ =	vpop (xrf0);
	(v2sf) =	vpush v4, $0xF  }
0x2a: {  	v4, _, _ =	vpop (xrf0);
	(v2sf) =	vpush v5, $0xF  }
0x2b: {  	(v2sf) =	vpush v4, $0xF;
	v4, _, _ =	vpop (xrf0)  }
0x2c: {  	(v2sf) =	vpush v4, $0xF;
	_ =	sdelay $0xa  }
0x2d: {  	s20 =	simm.s32 $0x0  }
0x2e: {  	v7 =	vld [tilespmem:s20+$0x2000];
	s6 =	spop (v2sf)  }
0x2f: {  	s4 =	spop (v2sf)  }
0x30: {  	v8 =	vld [tilespmem:s20+$0x0];
	s31 =	spop (v2sf)  }
0x31: {  	s1 =	sadd.s32 s6, s4;
	s7 =	spop (v2sf)  }
0x32: {  	v5 =	vmov s1;
	s31 =	sadd.s32 s31, s7  }
0x33: {  	s1 =	simm.s32 $0x10;
	v6 =	vadd.s32 v5, v7;
	s4 =	sadd.s32 s31, s5  }
0x34: {  	v4 =	vadd.s32 $0xFFFFFFFF, v5;
	v9 =	vsub.s32 s4, v6;
	v6 =	vld [tilespmem:s1+$0x2000]  }
0x35: {  	vm2 =	veq.s32 v8, $0x1;
	v8 =	vadd.s32 v4, v7;
	v9 =	vadd.s32 v0, v9  }
0x36: {  	v7 =	vld [tilespmem:s1+$0x0];
	v8 =	vsel vm2, v8, v9  }
0x37: {  	s4 =	simm.s32 $0x80;
	[tilespmem:s20+$0x5000] =	vst v8;
	s20 =	smov.u32 s5  }
.LBB2_2:
0x38: {  	s6 =	sshra.s32 s4, $0x2;
	s20 =	sadd.s32 $0x10, s20;
	p0 =	sne.s32 s4, $0x7FC0  }
.Ltmp0:
0x39: {  	s4 =	sadd.s32 $0x40, s4;
	v8 =	vadd.s32 v5, v6;
	s7 =	sadd.s32 s31, s20;
	(pc) =	sbr.rel @p0 .LBB2_2-.Ltmp0, $4  }
0x3a: {  	v9 =	vmov v6;
	v8 =	vsub.s32 s7, v8;
	v6 =	vld [tilespmem:s6+$0x2000]  }
0x3b: {  	v9 =	vadd.s32 v4, v9;
	vm2 =	veq.s32 v7, $0x1;
	v8 =	vadd.s32 v0, v8  }
0x3c: {  	v7 =	vld [tilespmem:s6+$0x0];
	v8 =	vsel vm2, v9, v8  }
0x3d: {  	[tilespmem:s1+$0x5000] =	vst v8;
	s1 =	smov.u32 s6  }
0x3e: {  	s4 =	sadd.s32 $0x10, s20  }
0x3f: {  	v5 =	vadd.s32 v5, v6;
	s4 =	sadd.s32 s31, s4  }
0x40: {  	v5 =	vsub.s32 s4, v5  }
0x41: {  	v4 =	vadd.s32 v4, v6;
	vm2 =	veq.s32 v7, $0x1;
	v5 =	vadd.s32 v0, v5  }
0x42: {  	v4 =	vsel vm2, v4, v5  }
0x43: {  	s20 =	simm.s32 $0x0;
	s6 =	rddreg [dreg:$0x6];
	[tilespmem:s1+$0x5000] =	vst v4;
	s1 =	simm.s32 $0x7000  }
0x44: {  	[tilespmem:s1], [sflag:$0x2] =	stream.linear.gather [hbm4b:s6+s20], $0x1000, $0x38;
	[tilespmem:$0x1D000] =	vst v63  }
0x45: {  	_ =	swait.ge [sflag:s21], $0x1000  }
0x46: {  	[sflag:s21] =	ssyncset.done $0x0  }
0x47: {  	[sflag:s21] =	ssyncadd.s32 $0xFFFFF000  }
0x48: {  	[tilespmem:s24], [sflag:$0x2] =	stream.linear.gather [hbm4b:s8+s20], $0x1000, $0x38;
	[tilespmem:$0x1D000] =	vst v63  }
0x49: {  	_ =	swait.ge [sflag:s21], $0x1000  }
0x4a: {  	[sflag:s21] =	ssyncset.done $0x0  }
0x4b: {  	[sflag:s21] =	ssyncadd.s32 $0xFFFFF000  }
0x4c: {  	[tilespmem:s25], [sflag:$0x2] =	stream.linear.gather [hbm4b:s9+s20], $0x1000, $0x38;
	[tilespmem:$0x1D000] =	vst v63  }
0x4d: {  	_ =	swait.ge [sflag:s21], $0x1000  }
0x4e: {  	[sflag:s21] =	ssyncset.done $0x0  }
0x4f: {  	[sflag:s21] =	ssyncadd.s32 $0xFFFFF000  }
0x50: {  	[tilespmem:s26], [sflag:$0x2] =	stream.linear.gather [hbm4b:s10+s20], $0x1000, $0x38;
	[tilespmem:$0x1D000] =	vst v63  }
0x51: {  	_ =	swait.ge [sflag:s21], $0x1000  }
0x52: {  	[sflag:s21] =	ssyncset.done $0x0  }
0x53: {  	[sflag:s21] =	ssyncadd.s32 $0xFFFFF000  }
0x54: {  	[tilespmem:s28], [sflag:$0x2] =	stream.linear.gather [hbm4b:s11+s20], $0x1000, $0x38;
	[tilespmem:$0x1D000] =	vst v63  }
0x55: {  	_ =	swait.ge [sflag:s21], $0x1000  }
0x56: {  	[sflag:s21] =	ssyncset.done $0x0  }
0x57: {  	[sflag:s21] =	ssyncadd.s32 $0xFFFFF000  }
0x58: {  	[tilespmem:s29], [sflag:$0x2] =	stream.linear.gather [hbm4b:s12+s20], $0x1000, $0x38;
	[tilespmem:$0x1D000] =	vst v63  }
0x59: {  	_ =	swait.ge [sflag:s21], $0x1000  }
0x5a: {  	[sflag:s21] =	ssyncset.done $0x0  }
0x5b: {  	[sflag:s21] =	ssyncadd.s32 $0xFFFFF000  }
0x5c: {  	v4 =	vld [tilespmem:s1+$0x3000]  }
0x5d: {  	v5 =	vld [tilespmem:s1+$0x5000]  }
0x5e: {  	v6 =	vld [tilespmem:s1+$0x4000];
	_ =	sdelay $0x2  }
0x5f: {  	v8 =	vmov s20;
	v7 =	vld [tilespmem:s1+$0x0]  }
0x60: {  	v8 =	vshll.u32 v8, $0x3;
	v9 =	vld [tilespmem:s1+$0x1000];
	v5 =	vadd.f32 $5.000000000e-01, v5;
	v4 =	vadd.f32 $5.000000000e-01, v4  }
0x61: {  	v8 =	vor.u32 v3, v8;
	v6 =	vadd.f32 $5.000000000e-01, v6  }
0x62: {  	v11 =	vor.u32 $0x1, v8;
	v10 =	vld [tilespmem:s1+$0x2000];
	v5 =	vadd.f32 $-5.000000000e+01, v5;
	v4 =	vmul.f32 $7.999999820e-02, v4  }
0x63: {  	v6 =	vadd.f32 $-5.000000000e+01, v6  }
0x64: {  	v5 =	vsub.f32 v7, v5;
	v7 =	vadd.f32 $-5.000000000e+00, v4;
	v4 =	vor.u32 $0x2, v8  }
0x65: {  	v6 =	vsub.f32 v9, v6  }
0x66: {  	[tilespmem:v8+s30+$0x0] =	vst.idx.msk $0xffff, v5  }
0x67: {  	s31 =	simm.s32 $0x10;
	v5 =	vsub.f32 v10, v7;
	[tilespmem:v11+s30+$0x0] =	vst.idx.msk $0xffff, v6  }
.LBB2_4:
0x68: {  	p0 =	sne.s32 s31, $0xFF0  }
0x69: {  	[tilespmem:v4+s30+$0x0] =	vst.idx.msk $0xffff, v5;
	s1 =	sadd.s32 $0x10, s1;
	s4 =	smov.u32 s31;
	s31 =	sadd.s32 $0x10, s31  }
0x6a: {  	v4 =	vld [tilespmem:s1+$0x3000]  }
0x6b: {  	v5 =	vld [tilespmem:s1+$0x5000]  }
0x6c: {  	v6 =	vld [tilespmem:s1+$0x4000];
	_ =	sdelay $0x2  }
0x6d: {  	v8 =	vmov s4;
	v7 =	vld [tilespmem:s1+$0x0];
	v4 =	vadd.f32 $5.000000000e-01, v4  }
0x6e: {  	v8 =	vshll.u32 v8, $0x3;
	v9 =	vld [tilespmem:s1+$0x1000];
	v5 =	vadd.f32 $5.000000000e-01, v5  }
0x6f: {  	v8 =	vor.u32 v3, v8;
	v10 =	vld [tilespmem:s1+$0x2000];
	v6 =	vadd.f32 $5.000000000e-01, v6;
	v4 =	vmul.f32 $7.999999820e-02, v4  }
0x70: {  	v11 =	vor.u32 $0x1, v8;
	v5 =	vadd.f32 $-5.000000000e+01, v5  }
.Ltmp1:
0x71: {  	v6 =	vadd.f32 $-5.000000000e+01, v6;
	v12 =	vadd.f32 $-5.000000000e+00, v4;
	v4 =	vor.u32 $0x2, v8;
	(pc) =	sbr.rel @p0 .LBB2_4-.Ltmp1, $4  }
0x72: {  	v5 =	vsub.f32 v7, v5  }
0x73: {  	v6 =	vsub.f32 v9, v6  }
0x74: {  	[tilespmem:v8+s30+$0x0] =	vst.idx.msk $0xffff, v5;
	v5 =	vsub.f32 v10, v12  }
0x75: {  	[tilespmem:v11+s30+$0x0] =	vst.idx.msk $0xffff, v6  }
0x76: {  	_ =	sdelay $0x3  }
0x77: {  	[tilespmem:v4+s30+$0x0] =	vst.idx.msk $0xffff, v5;
	s1 =	simm.s32 $0x7000  }
0x78: {  	[tilespmem:s1], [sflag:$0x2] =	stream.linear.gather [hbm4b:s13+s3], $0x1000, $0x38;
	[tilespmem:$0x1D000] =	vst v63  }
0x79: {  	_ =	swait.ge [sflag:s21], $0x1000  }
0x7a: {  	[sflag:s21] =	ssyncset.done $0x0  }
0x7b: {  	[sflag:s21] =	ssyncadd.s32 $0xFFFFF000  }
0x7c: {  	[tilespmem:s24], [sflag:$0x2] =	stream.linear.gather [hbm4b:s14+s3], $0x1000, $0x38;
	[tilespmem:$0x1D000] =	vst v63  }
0x7d: {  	_ =	swait.ge [sflag:s21], $0x1000  }
0x7e: {  	[sflag:s21] =	ssyncset.done $0x0  }
0x7f: {  	[sflag:s21] =	ssyncadd.s32 $0xFFFFF000  }
0x80: {  	[tilespmem:s25], [sflag:$0x2] =	stream.linear.gather [hbm4b:s15+s3], $0x1000, $0x38;
	[tilespmem:$0x1D000] =	vst v63  }
0x81: {  	_ =	swait.ge [sflag:s21], $0x1000  }
0x82: {  	[sflag:s21] =	ssyncset.done $0x0  }
0x83: {  	[sflag:s21] =	ssyncadd.s32 $0xFFFFF000  }
0x84: {  	[tilespmem:s26], [sflag:$0x2] =	stream.linear.gather [hbm4b:s16+s3], $0x1000, $0x38;
	[tilespmem:$0x1D000] =	vst v63  }
0x85: {  	_ =	swait.ge [sflag:s21], $0x1000  }
0x86: {  	[sflag:s21] =	ssyncset.done $0x0  }
0x87: {  	[sflag:s21] =	ssyncadd.s32 $0xFFFFF000  }
0x88: {  	[tilespmem:s28], [sflag:$0x2] =	stream.linear.gather [hbm4b:s17+s3], $0x1000, $0x38;
	[tilespmem:$0x1D000] =	vst v63  }
0x89: {  	_ =	swait.ge [sflag:s21], $0x1000  }
0x8a: {  	[sflag:s21] =	ssyncset.done $0x0  }
0x8b: {  	[sflag:s21] =	ssyncadd.s32 $0xFFFFF000  }
0x8c: {  	[tilespmem:s29], [sflag:$0x2] =	stream.linear.gather [hbm4b:s18+s3], $0x1000, $0x38;
	[tilespmem:$0x1D000] =	vst v63  }
0x8d: {  	_ =	swait.ge [sflag:s21], $0x1000  }
0x8e: {  	[sflag:s21] =	ssyncset.done $0x0  }
0x8f: {  	[sflag:s21] =	ssyncadd.s32 $0xFFFFF000  }
0x90: {  	v4 =	vld [tilespmem:s1+$0x3000]  }
0x91: {  	v5 =	vld [tilespmem:s1+$0x5000]  }
0x92: {  	v6 =	vld [tilespmem:s1+$0x4000];
	_ =	sdelay $0x1  }
0x93: {  	s4 =	simm.s32 $0x1000  }
0x94: {  	v8 =	vmov s4;
	v7 =	vld [tilespmem:s1+$0x0]  }
0x95: {  	v8 =	vshll.u32 v8, $0x3;
	v9 =	vld [tilespmem:s1+$0x1000];
	v5 =	vadd.f32 $5.000000000e-01, v5;
	v4 =	vadd.f32 $5.000000000e-01, v4  }
0x96: {  	v8 =	vor.u32 v3, v8;
	v6 =	vadd.f32 $5.000000000e-01, v6  }
0x97: {  	v11 =	vor.u32 $0x1, v8;
	v10 =	vld [tilespmem:s1+$0x2000];
	v5 =	vadd.f32 $-5.000000000e+01, v5;
	v4 =	vmul.f32 $7.999999820e-02, v4  }
0x98: {  	v6 =	vadd.f32 $-5.000000000e+01, v6  }
0x99: {  	v5 =	vsub.f32 v7, v5;
	v7 =	vadd.f32 $-5.000000000e+00, v4;
	v4 =	vor.u32 $0x2, v8  }
0x9a: {  	v6 =	vsub.f32 v9, v6  }
0x9b: {  	[tilespmem:v8+s30+$0x0] =	vst.idx.msk $0xffff, v5  }
0x9c: {  	s31 =	simm.s32 $0x1010;
	v5 =	vsub.f32 v10, v7;
	[tilespmem:v11+s30+$0x0] =	vst.idx.msk $0xffff, v6  }
.LBB2_6:
0x9d: {  	p0 =	sne.s32 s31, $0x1FF0  }
0x9e: {  	[tilespmem:v4+s30+$0x0] =	vst.idx.msk $0xffff, v5;
	s1 =	sadd.s32 $0x10, s1;
	s4 =	smov.u32 s31;
	s31 =	sadd.s32 $0x10, s31  }
0x9f: {  	v4 =	vld [tilespmem:s1+$0x3000]  }
0xa0: {  	v5 =	vld [tilespmem:s1+$0x5000]  }
0xa1: {  	v6 =	vld [tilespmem:s1+$0x4000];
	_ =	sdelay $0x2  }
0xa2: {  	v8 =	vmov s4;
	v7 =	vld [tilespmem:s1+$0x0];
	v4 =	vadd.f32 $5.000000000e-01, v4  }
0xa3: {  	v8 =	vshll.u32 v8, $0x3;
	v9 =	vld [tilespmem:s1+$0x1000];
	v5 =	vadd.f32 $5.000000000e-01, v5  }
0xa4: {  	v8 =	vor.u32 v3, v8;
	v10 =	vld [tilespmem:s1+$0x2000];
	v6 =	vadd.f32 $5.000000000e-01, v6;
	v4 =	vmul.f32 $7.999999820e-02, v4  }
0xa5: {  	v11 =	vor.u32 $0x1, v8;
	v5 =	vadd.f32 $-5.000000000e+01, v5  }
.Ltmp2:
0xa6: {  	v6 =	vadd.f32 $-5.000000000e+01, v6;
	v12 =	vadd.f32 $-5.000000000e+00, v4;
	v4 =	vor.u32 $0x2, v8;
	(pc) =	sbr.rel @p0 .LBB2_6-.Ltmp2, $4  }
0xa7: {  	v5 =	vsub.f32 v7, v5  }
0xa8: {  	v6 =	vsub.f32 v9, v6  }
0xa9: {  	[tilespmem:v8+s30+$0x0] =	vst.idx.msk $0xffff, v5;
	v5 =	vsub.f32 v10, v12  }
0xaa: {  	[tilespmem:v11+s30+$0x0] =	vst.idx.msk $0xffff, v6  }
0xab: {  	_ =	sdelay $0x1  }
0xac: {  	s2 =	sadd.s32 $0x1, s2  }
0xad: {  	p0 =	sne.s32 s2, s19  }
.Ltmp3:
0xae: {  	[tilespmem:v4+s30+$0x0] =	vst.idx.msk $0xffff, v5;
	s1 =	rddreg [dreg:$0x1];
	s4 =	simm.s32 $0x5000;
	(pc) =	sbr.rel @p0 .LBB2_1-.Ltmp3, $4  }
0xaf: {  	[hbm4b:s1+s22] =	stream.indirect.scatter [tilespmem:s30], [sflag:$0x1], $0x8, s4, s22, $0xb8;
	[tilespmem:$0x1D000] =	vst v63  }
0xb0: {  	_ =	swait.ge [sflag:s0], $0x10000  }
0xb1: {  	[sflag:s0] =	ssyncset.done $0x0  }
0xb2: {  	[sflag:s0] =	ssyncadd.s32 $0xFFFF0000  }
0xb3: {  	_ =	sfence.sel $0x180000  }
0xb4: {  	[bflag:$0x0] =	sbarrier.arrive $0xFFFF  }
0xb5: {  	_ =	strace $0x9000004A  }
0xb6: {  	s0 =	stileid.u32;
	[bflag:$0x2] =	sbarrier.arrive $0xFFFF  }
0xb7: {  	p0 =	sne.s32 s0, $0x0;
	s0 =	rddreg [dreg:$0x2]  }
0xb8: {  	s0 =	sadd.s32 @!p0 $0x100000, s0  }
0xb9: {  	[sflag:s0] =	ssyncadd.tile.s32 @!p0 $0x1;
	_ =	shalt  }
.Lfunc_end2:
_tile_overlayer_lowered:
.L_overlay_start_2:
0xba: {  	(tag) =	ssettag $0x2  }
0xbb: {  	s0 =	rddreg [dreg:$0x0];
	s2 =	stileid.u32  }
0xbc: {  	s1 =	rddreg [dreg:$0x1];
	p0 =	sne.s32 s2, $0x0  }
0xbd: {  	s3 =	rddreg [dreg:$0x2];
	[bflag:$0x3] =	sbarrier.arrive $0xFFFF;
	s2 =	simm.s32 @!p0 $0x1C02  }
0xbe: {  	[timem:s3], [sflag:s2] =	dma.local @!p0 [hbm:s0], s1  }
0xbf: {  	s0 =	simm.s32 @!p0 $0x2  }
0xc0: {  	_ =	swait.ge @!p0 [sflag:s0], s1  }
0xc1: {  	s1 =	ssub.s32 @!p0 $0x0, s1;
	[sflag:s0] =	ssyncset.done @!p0 $0x0  }
0xc2: {  	[sflag:s0] =	ssyncadd.s32 @!p0 s1  }
0xc3: {  	[bflag:$0x3] =	sbarrier.arrive $0xFFFF  }
0xc4: {  	_ =	shalt  }

// kernel: kernel.13.cloned.1.call-start
scs
__scs_entry_jumppad:
0x0: {  	(pc) =	sbr.rel $0x88, $3  }
0x1: {  	(tag) =	ssettag $0x0;
	lr =	simm.s32 $0x1  }
0x2: {  	[smem:$0x3F9C] =	sst lr;
	_ =	strace $0xD0000000  }
0x3: {  	_ = 	snop  }
0x4: {  	_ = 	snop  }
0x5: {  	_ = 	snop  }
0x6: {  	_ = 	snop  }
0x7: {  	_ = 	snop  }
__scs_overlays_trampoline_lowered:
0x8: {  	[smem:$0x3FAB] =	sst s0  }
0x9: {  	[smem:$0x3FAC] =	sst s1  }
0xa: {  	[smem:$0x3FAD] =	sst s2  }
0xb: {  	[smem:$0x3FAE] =	sst s3  }
0xc: {  	[smem:$0x3FAF] =	sst s4  }
0xd: {  	[smem:$0x3FB0] =	sst s5  }
0xe: {  	[smem:$0x3FB1] =	sst s6  }
0xf: {  	[smem:$0x3FB2] =	sst s7  }
0x10: {  	[smem:$0x3FB3] =	sst s8  }
0x11: {  	[smem:$0x3FB4] =	sst s9;
	s0 =	simm.s32 @!p0 $0x0  }
0x12: {  	s1 =	sld [smem:$0x3F9A];
	s0 =	simm.s32 @p0 $0x1  }
0x13: {  	[smem:$0x3FB5] =	sst s0;
	s0 =	simm.s32 @!p1 $0x0  }
0x14: {  	s2 =	sld [smem:$0x3F99];
	s0 =	simm.s32 @p1 $0x1  }
0x15: {  	[smem:$0x3FB6] =	sst s0;
	s0 =	simm.s32 @!p2 $0x0  }
0x16: {  	s3 =	sld [smem:$0x3FDB];
	s0 =	simm.s32 @p2 $0x1  }
0x17: {  	s4 =	simm.s32 $0x1BF5;
	[smem:$0x3FB8] =	sst s0  }
0x18: {  	s0 =	sld [smem:$0x3F9B];
	_ =	swait.ge [sflag:s4], $0x0  }
0x19: {  	s7 =	sld [smem:$0x3F9C]  }
0x1a: {  	s8 =	sadd.s32 $0xFFFFE003, lr  }
0x1b: {  	s9 =	sadd.s32 $0xFFFFFEF7, lr;
	s5 =	simm.s32 $0xFFFFFFFF;
	p2 =	slt.u32 s8, $0xFFFFF086  }
0x1c: {  	p1 =	slt.u32 s9, $0xF7A;
	s5 =	simm.s32 @!p2 $0x0  }
0x1d: {  	s5 =	simm.s32 @p1 $0x1;
	p0 =	seq.s32 s7, s2  }
0x1e: {  	s7 =	smul.u32 @!p0 $0xF7A, s2;
	p2 =	seq.s32 @!p0 s5, $0x0  }
0x1f: {  	s9 =	smul.u32 $0xF7A, s1;
	s8 =	simm.s32 @!p0 $0x1BF5;
	p2 =	por !p2, p0  }
0x20: {  	[sflag:s8] =	ssyncset.s32 @!p0 $0xFFFFF086;
	s6 =	sadd.s32 @!p0 s3, s7;
	s7 =	simm.s32 @!p0 $0x108  }
0x21: {  	s3 =	sadd.s32 s3, s9;
	s6 =	sadd.s32 @!p0 $0x88, s6;
	s7 =	simm.s32 @p2 $0x1082  }
0x22: {  	[simem:s7], [sflag:s8] =	dma.local @!p0 [hbm:s6], $0xF7A  }
0x23: {  	s9 =	sor.u32 $0xD0000000, s2;
	s6 =	simm.s32 $0x108;
	_ =	swait.ge @!p0 [sflag:s8], $0x0  }
0x24: {  	s3 =	sadd.s32 $0x88, s3;
	s6 =	simm.s32 @!p1 $0x1082;
	[sflag:s4] =	ssyncset.s32 $0xFFFFF086  }
0x25: {  	[simem:s6], [sflag:s4] =	dma.local [hbm:s3], $0xF7A  }
0x26: {  	[smem:$0x3F9C] =	sst s1;
	(tag) =	ssettag s2;
	_ =	strace s9  }
0x27: {  	s1 =	sld [smem:$0x3FAC]  }
0x28: {  	s2 =	sld [smem:$0x3FAD]  }
0x29: {  	s4 =	sld [smem:$0x3FAF]  }
0x2a: {  	p0 =	seq.s32 s5, $0x0;
	s5 =	sld [smem:$0x3FB0]  }
0x2b: {  	s6 =	sld [smem:$0x3FB1]  }
0x2c: {  	s7 =	sld [smem:$0x3FB2]  }
0x2d: {  	s3 =	simm.s32 $0x108;
	s8 =	sld [smem:$0x3FB3]  }
0x2e: {  	s3 =	simm.s32 @!p0 $0x1082;
	s9 =	sld [smem:$0x3FB4]  }
0x2f: {  	lr =	sadd.s32 s0, s3;
	s0 =	sld [smem:$0x3FAB]  }
0x30: {  	s3 =	sld [smem:$0x3FAE]  }
0x31: {  	[smem:$0x3FB7] =	sst s10  }
0x32: {  	s10 =	sld [smem:$0x3FB5];
	_ =	sdelay $0x3  }
0x33: {  	p0 =	seq.s32 s10, $0x1;
	s10 =	sld [smem:$0x3FB7];
	_ =	sdelay $0x3  }
0x34: {  	[smem:$0x3FB7] =	sst s10  }
0x35: {  	s10 =	sld [smem:$0x3FB6];
	_ =	sdelay $0x3  }
0x36: {  	p1 =	seq.s32 s10, $0x1;
	s10 =	sld [smem:$0x3FB7];
	_ =	sdelay $0x3  }
0x37: {  	[smem:$0x3FB7] =	sst s10  }
0x38: {  	s10 =	sld [smem:$0x3FB8]  }
0x39: {  	_ = 	snop;
	(pc) =	sbr.ind lr, $3  }
0x3a: {  	_ = 	snop  }
0x3b: {  	_ = 	snop  }
0x3c: {  	p2 =	seq.s32 s10, $0x1;
	s10 =	sld [smem:$0x3FB7]  }
0x3d: {  	_ =	shalt  }
0x3e: {  	_ =	shalt  }
0x3f: {  	_ =	shalt  }
0x40: {  	_ =	shalt  }
0x41: {  	_ =	shalt  }
0x42: {  	_ =	shalt  }
0x43: {  	_ =	shalt  }
0x44: {  	_ =	shalt  }
0x45: {  	_ =	shalt  }
0x46: {  	_ =	shalt  }
0x47: {  	_ =	shalt  }
0x48: {  	_ =	shalt  }
0x49: {  	_ =	shalt  }
0x4a: {  	_ =	shalt  }
0x4b: {  	_ =	shalt  }
0x4c: {  	_ =	shalt  }
0x4d: {  	_ =	shalt  }
0x4e: {  	_ =	shalt  }
0x4f: {  	_ =	shalt  }
0x50: {  	_ =	shalt  }
0x51: {  	_ =	shalt  }
0x52: {  	_ =	shalt  }
0x53: {  	_ =	shalt  }
0x54: {  	_ =	shalt  }
0x55: {  	_ =	shalt  }
0x56: {  	_ =	shalt  }
0x57: {  	_ =	shalt  }
0x58: {  	_ =	shalt  }
0x59: {  	_ =	shalt  }
0x5a: {  	_ =	shalt  }
0x5b: {  	_ =	shalt  }
0x5c: {  	_ =	shalt  }
0x5d: {  	_ =	shalt  }
0x5e: {  	_ =	shalt  }
0x5f: {  	_ =	shalt  }
0x60: {  	_ =	shalt  }
0x61: {  	_ =	shalt  }
0x62: {  	_ =	shalt  }
0x63: {  	_ =	shalt  }
0x64: {  	_ =	shalt  }
0x65: {  	_ =	shalt  }
0x66: {  	_ =	shalt  }
0x67: {  	_ =	shalt  }
0x68: {  	_ =	shalt  }
0x69: {  	_ =	shalt  }
0x6a: {  	_ =	shalt  }
0x6b: {  	_ =	shalt  }
0x6c: {  	_ =	shalt  }
0x6d: {  	_ =	shalt  }
0x6e: {  	_ =	shalt  }
0x6f: {  	_ =	shalt  }
0x70: {  	_ =	shalt  }
0x71: {  	_ =	shalt  }
0x72: {  	_ =	shalt  }
0x73: {  	_ =	shalt  }
0x74: {  	_ =	shalt  }
0x75: {  	_ =	shalt  }
0x76: {  	_ =	shalt  }
0x77: {  	_ =	shalt  }
0x78: {  	_ =	shalt  }
0x79: {  	_ =	shalt  }
0x7a: {  	_ =	shalt  }
0x7b: {  	_ =	shalt  }
0x7c: {  	_ =	shalt  }
0x7d: {  	_ =	shalt  }
0x7e: {  	_ =	shalt  }
0x7f: {  	_ =	shalt  }
0x80: {  	_ =	shalt  }
0x81: {  	_ =	shalt  }
0x82: {  	_ =	shalt  }
0x83: {  	_ =	shalt  }
0x84: {  	_ =	shalt  }
0x85: {  	_ =	shalt  }
0x86: {  	_ =	shalt  }
0x87: {  	_ =	shalt  }
.Lfunc_end0:
.L_simem_size_0:
called_computation.2_lowered:
.L_overlay_start_0:
0x88: {  	s2 =	sld [smem:$0x3FD9]  }
0x89: {  	s3 =	sld [smem:$0x3FFE];
	_ =	sdelay $0x1  }
0x8a: {  	s1 =	srdreg.scid  }
0x8b: {  	s0 =	sand.u32 $0x1, s1  }
0x8c: {  	s17 =	sshll.u32 s0, $0xA;
	s2 =	sadd.s32 s3, s2  }
0x8d: {  	s2 =	sadd.s32 s2, s17  }
0x8e: {  	[smem:$0x3FC3] =	sst s2  }
0x8f: {  	_ = 	snop  }
0x90: {  	s18 =	sld [smem:$0x3FC7]  }
0x91: {  	s4 =	sld [smem:$0x3FC6];
	(tm) =	ssettm $0x1  }
0x92: {  	s19 =	sld [smem:$0x3FFB];
	_ =	sdelay $0x3  }
0x93: {  	_ =	strace s19  }
0x94: {  	s2 =	sld [smem:$0x3FFC];
	_ =	sdelay $0x3  }
0x95: {  	_ =	strace s2  }
0x96: {  	s2 =	sld [smem:$0x3FFD];
	_ =	sdelay $0x3  }
0x97: {  	_ =	strace s2  }
0x98: {  	_ =	strace $0x8FFFFFFF  }
0x99: {  	s20 =	sld [smem:$0x3FDB];
	_ =	sdelay $0x1  }
0x9a: {  	s5 =	simm.s32 $_scs_section_size  }
0x9b: {  	s6 =	simm.s32 $_size__tile_overlayer_lowered;
	s7 =	simm.s32 $_tile_overlayer_lowered  }
0x9c: {  	s8 =	simm.s32 $0x1BFF;
	s21 =	sshll.u32 s7, $0x1;
	s5 =	sadd.s32 s5, s20  }
0x9d: {  	s22 =	simm.s32 $0x0;
	s6 =	sshll.u32 s6, $0x1;
	s7 =	sadd.s32 s21, s5  }
0x9e: {  	[timem:s22], [sflag:s8] =	dma.local [hbm:s7], s6  }
0x9f: {  	_ =	swait.ge [sflag:s8], s6  }
0xa0: {  	s6 =	ssub.s32 $0x0, s6;
	[sflag:s8] =	ssyncset.done $0x0  }
0xa1: {  	[sflag:s8] =	ssyncadd.s32 s6;
	_ =	sdelay $0x1  }
0xa2: {  	s23 =	simm.s32 $0x1B8B  }
0xa3: {  	_ =	swait.ge [sflag:s23], $0x1  }
0xa4: {  	[sflag:s23] =	ssyncset.done $0x0  }
0xa5: {  	[sflag:s23] =	ssyncadd.s32 $0xFFFFFFFF  }
0xa6: {  	s6 =	sld [smem:$0x0]  }
0xa7: {  	s7 =	sand.u32 $0xFFFFFFFE, s1  }
0xa8: {  	p0 =	sne.s32 s1, s7  }
0xa9: {  	s7 =	sshll.u32 @p0 s7, $0xE  }
0xaa: {  	s7 =	sadd.s32 @p0 $0x11B8D, s7;
	s8 =	sshll.u32 @p0 s6, $0x11  }
0xab: {  	s7 =	sor.u32 @p0 s8, s7  }
0xac: {  	[sflag:s7] =	ssyncadd.remote.s32 @p0 $0x1;
	_ =	sdelay $0x1  }
0xad: {  	s7 =	simm.s32 @p0 $0x1B8D  }
0xae: {  	_ =	swait.eq @p0 [sflag:s7], $0x1  }
0xaf: {  	[sflag:s7] =	ssyncadd.s32 @p0 $0xFFFFFFFF  }
0xb0: {  	s8 =	sshll.u32 @!p0 s1, $0xE  }
0xb1: {  	s8 =	sor.u32 @!p0 $0x4000, s8;
	s7 =	simm.s32 @!p0 $0x1B8D  }
0xb2: {  	s6 =	sshll.u32 @!p0 s6, $0x11;
	s8 =	sadd.s32 @!p0 $0x11B8D, s8;
	_ =	swait.eq @!p0 [sflag:s7], $0x1  }
0xb3: {  	s6 =	sor.u32 @!p0 s6, s8;
	[sflag:s7] =	ssyncadd.s32 @!p0 $0xFFFFFFFF  }
0xb4: {  	s25 =	simm.s32 $0x1B8E;
	s24 =	sld [smem:$0x3FFE];
	[sflag:s6] =	ssyncadd.remote.s32 @!p0 $0x1  }
0xb5: {  	s26 =	simm.s32 $execute0_lowered;
	[smem:$0x3FD2] =	sst s25  }
0xb6: {  	s7 =	sshll.u32 s26, $0x1;
	_ =	strace $0x8000004C;
	[dreg:$0x1] =	wrdreg $0xFFFFFFFF  }
0xb7: {  	s28 =	simm.s32 $_size_execute0_lowered;
	s5 =	sadd.s32 s5, s7;
	[dreg:$0x0] =	wrdreg $0x0  }
0xb8: {  	s7 =	sshll.u32 s28, $0x1;
	[dreg:$0x2] =	wrdreg s5  }
0xb9: {  	[dreg:$0x3] =	wrdreg s7  }
0xba: {  	[dreg:$0x4] =	wrdreg $0xC0  }
0xbb: {  	_ =	task [dreg:s22], $0x5FFFF  }
0xbc: {  	[dreg:$0x1] =	wrdreg $0xFFFFFFFF  }
0xbd: {  	[dreg:$0x0] =	wrdreg $0x60  }
0xbe: {  	[dreg:$0x2] =	wrdreg s18  }
0xbf: {  	[dreg:$0x3] =	wrdreg s4  }
0xc0: {  	[dreg:$0x4] =	wrdreg s24  }
0xc1: {  	[dreg:$0x5] =	wrdreg $0xA  }
0xc2: {  	_ =	task.clear_ibuf [dreg:s22], $0x6FFFF;
	_ =	strace $0x9000004C  }
0xc3: {  	s29 =	simm.s32 $0xA;
	_ =	strace $0x8000004E  }
0xc4: {  	_ =	swait.ge [sflag:s29], $0x1  }
0xc5: {  	[sflag:s29] =	ssyncadd.s32 $0xFFFFFFFF  }
0xc6: {  	_ =	strace $0x9000004E  }
0xc7: {  	_ =	sfence  }
0xc8: {  	s30 =	sld [smem:$0x0];
	_ =	sdelay $0x2  }
0xc9: {  	s31 =	sshll.u32 s1, $0xD;
	s1 =	sshrl.u32 s1, $0x2  }
0xca: {  	s4 =	sand.u32 $0x4000, s31;
	s1 =	sadd.s32 s1, s30  }
0xcb: {  	s0 =	sor.u32 s4, s0;
	s1 =	sshll.u32 s1, $0x11  }
0xcc: {  	s0 =	sor.u32 s1, s0  }
0xcd: {  	s0 =	sadd.s32 $0x8F2B, s0  }
0xce: {  	[sflag:s0] =	ssyncadd.remote.s32 $0x1  }
0xcf: {  	_ =	sfence.sel $0xFFFF  }
0xd0: {  	[dreg:$0x0] =	wrdreg $0xFFFFFFFF;
	(pc) =	sbr.abs _section_cstart, $3  }
0xd1: {  	[dreg:$0x1] =	wrdreg $0xFFFFFFFF  }
0xd2: {  	_ =	task.clear_ibuf [dreg:s22], $0x2FFFF;
	_ =	strace $0x9FFFFFFF  }
0xd3: {  	(tm) =	ssettm $0x7FFFFFFF  }
tec
execute0_lowered:
.L_overlay_start_1:
0x0: {  	(tag) =	ssettag $0x1  }
0x1: {  	s0 =	rddreg [dreg:$0x0]  }
0x2: {  	s2 =	rddreg [dreg:$0x1]  }
0x3: {  	s1 =	srdreg.scid;
	s5 =	rddreg [dreg:$0x2]  }
0x4: {  	s10 =	stileid.u32;
	s3 =	simm.s32 $0x0;
	s11 =	simm.s32 $0x9  }
0x5: {  	s12 =	simm.s32 $0x4000;
	s13 =	simm.s32 $0x7000;
	s14 =	simm.s32 $0x80  }
0x6: {  	s15 =	simm.s32 $0x9000;
	s17 =	simm.s32 $0xD000;
	s19 =	simm.s32 $0x11000  }
0x7: {  	s20 =	simm.s32 $0x1;
	s23 =	simm.s32 $0x15000;
	s24 =	simm.s32 $0x2  }
0x8: {  	s26 =	simm.s32 $0x5;
	s29 =	simm.s32 $0x3;
	s31 =	simm.s32 $0x6  }
0x9: {  	s18 =	simm.s32 $0x7;
	s21 =	simm.s32 $0x8;
	s22 =	simm.s32 $0x0  }
0xa: {  	s1 =	sand.u32 $0x1, s1;
	[smem:$0x7FF] =	sst s3;
	s28 =	sadd.s32 $0x11C00, s5  }
0xb: {  	s30 =	sshll.u32 s10, $0xD;
	s4 =	sshll.u32 s1, $0x4;
	s6 =	ssub.s32 $0x2, s1  }
0xc: {  	_ =	strace $0x8000004D;
	[dreg:$0x4] =	wrdreg s28;
	s16 =	sor.u32 s10, s4  }
0xd: {  	v0 =	vlaneseq.u32;
	s1 =	sshll.u32 s1, $0x11;
	s9 =	sshrl.u32 s6, $0x1;
	s8 =	sshll.u32 s16, $0xA  }
0xe: {  	v1 =	vmul.u32 $0x80, v0;
	s10 =	sor.u32 s30, s1;
	s9 =	ssub.s32 s6, s9;
	s7 =	sadd.s32 s8, s5  }
0xf: {  	v3 =	vor.u32 $0x10, v0;
	v2 =	vmov s16;
	s5 =	sadd.s32 $0x41E00, s5;
	s8 =	sadd.s32 s2, s8;
	s9 =	smax.u32 s9, $0x1  }
0x10: {  	s2 =	simm.s32 $0x4;
	vm0 =	vgt.u32 v2, v3;
	vm1 =	vgt.u32 v2, v0;
	v2 =	vor.u32 $0x800, v1;
	s6 =	sadd.s32 $0x1C00, s7;
	s7 =	sadd.s32 $0x9C00, s7  }
.LBB2_1:
0x11: {  	[tilespmem:s3], [sflag:$0x9] =	stream.linear.gather [hbm4b:s6+s3], $0x2000, $0x38;
	[tilespmem:$0x19000] =	vst v63  }
0x12: {  	_ =	swait.ge [sflag:s11], $0x2000  }
0x13: {  	[sflag:s11] =	ssyncset.done $0x0  }
0x14: {  	s1 =	simm.s32 $0x2000;
	[sflag:s11] =	ssyncadd.s32 $0xFFFFE000  }
0x15: {  	[tilespmem:s1], [sflag:$0x9] =	stream.linear.gather [hbm4b:s7+s3], $0x2000, $0x38;
	[tilespmem:$0x19000] =	vst v63  }
0x16: {  	_ =	swait.ge [sflag:s11], $0x2000  }
0x17: {  	[sflag:s11] =	ssyncset.done $0x0  }
0x18: {  	s4 =	rddreg [dreg:$0x4];
	[sflag:s11] =	ssyncadd.s32 $0xFFFFE000  }
0x19: {  	[tilespmem:s12], [sflag:$0x9] =	stream.linear.gather [hbm4b:s4+s3], $0x1000, $0x38;
	[tilespmem:$0x19000] =	vst v63  }
0x1a: {  	_ =	swait.ge [sflag:s11], $0x1000  }
0x1b: {  	[sflag:s11] =	ssyncset.done $0x0  }
0x1c: {  	[sflag:s11] =	ssyncadd.s32 $0xFFFFF000  }
0x1d: {  	v3 =	vld.idx.msk [tilespmem:v1+s12+$0x0], $0xffff  }
0x1e: {  	v4 =	vld.idx.msk [tilespmem:v2+s12+$0x0], $0xffff;
	_ =	sdelay $0x3  }
0x1f: {  	v5 =	vnsel vm1, $0x0, v3  }
0x20: {  	(xrf0) =	vadd.scan.msk.s32 $0xffff, v5;
	v5 =	vnsel vm0, $0x0, v4  }
0x21: {  	(xrf0) =	vadd.scan.msk.s32 $0xffff, v5  }
0x22: {  	(xrf0) =	vadd.scan.msk.s32 $0xffff, v3  }
0x23: {  	(xrf0) =	vadd.scan.msk.s32 $0xffff, v4;
	_ =	sdelay $0x2  }
0x24: {  	v3, _, _ =	vpop (xrf0)  }
0x25: {  	v4, _, _ =	vpop (xrf0);
	(v2sf) =	vpush v3, $0xF  }
0x26: {  	v3, _, _ =	vpop (xrf0);
	(v2sf) =	vpush v4, $0xF  }
0x27: {  	(v2sf) =	vpush v3, $0xF;
	v3, _, _ =	vpop (xrf0)  }
0x28: {  	(v2sf) =	vpush v3, $0xF;
	_ =	sdelay $0xb  }
0x29: {  	v5 =	vld [tilespmem:s1+$0x0];
	s16 =	spop (v2sf)  }
0x2a: {  	s4 =	spop (v2sf)  }
0x2b: {  	v6 =	vld [tilespmem:s3+$0x0];
	s25 =	spop (v2sf)  }
0x2c: {  	s1 =	sadd.s32 s16, s4;
	s4 =	spop (v2sf)  }
0x2d: {  	v3 =	vmov s1;
	s25 =	sadd.s32 s25, s4;
	s4 =	sadd.s32 $0x0, s10  }
0x2e: {  	v7 =	vadd.s32 v3, v5;
	s1 =	sadd.s32 s25, s4  }
0x2f: {  	v4 =	vadd.s32 $0xFFFFFFFF, v3;
	v7 =	vsub.s32 s1, v7  }
0x30: {  	vm2 =	veq.s32 v6, $0x1;
	v5 =	vadd.s32 v4, v5;
	v6 =	vadd.s32 v0, v7  }
0x31: {  	s16 =	sand.u32 $0x1FF0, s3;
	v5 =	vsel vm2, v5, v6  }
0x32: {  	s30 =	simm.s32 $0x2010;
	[tilespmem:s16+$0x5000] =	vst v5  }
0x33: {  	s28 =	simm.s32 $0x10;
	s1 =	simm.s32 $0x0;
	s16 =	simm.s32 $0x20;
	v5 =	vld [tilespmem:s30+$0x0]  }
.LBB2_2:
0x34: {  	p0 =	sne.s32 s16, $0x1FF0;
	s1 =	sadd.s32 $0x10, s1  }
0x35: {  	v6 =	vld [tilespmem:s1+$0x0];
	_ =	sdelay $0x1  }
0x36: {  	s4 =	sadd.s32 s28, s10  }
0x37: {  	s4 =	sadd.s32 s25, s4;
	v7 =	vadd.s32 v3, v5  }
.Ltmp0:
0x38: {  	v7 =	vsub.s32 s4, v7;
	(pc) =	sbr.rel @p0 .LBB2_2-.Ltmp0, $4  }
0x39: {  	v5 =	vadd.s32 v4, v5;
	vm2 =	veq.s32 v6, $0x1;
	v6 =	vadd.s32 v0, v7  }
0x3a: {  	s4 =	sand.u32 $0x1FF0, s28;
	s28 =	smov.u32 s16;
	v5 =	vsel vm2, v5, v6  }
0x3b: {  	s30 =	sadd.s32 $0x10, s30;
	[tilespmem:s4+$0x5000] =	vst v5  }
0x3c: {  	s16 =	sadd.s32 $0x10, s16;
	v5 =	vld [tilespmem:s30+$0x0]  }
0x3d: {  	s1 =	sadd.s32 $0x10, s1  }
0x3e: {  	v6 =	vld [tilespmem:s1+$0x0];
	_ =	sdelay $0x1  }
0x3f: {  	s16 =	sadd.s32 s28, s10  }
0x40: {  	s1 =	sadd.s32 s25, s16;
	v3 =	vadd.s32 v3, v5  }
0x41: {  	v3 =	vsub.s32 s1, v3  }
0x42: {  	v4 =	vadd.s32 v4, v5;
	vm2 =	veq.s32 v6, $0x1;
	v3 =	vadd.s32 v0, v3  }
0x43: {  	s25 =	sand.u32 $0x1FF0, s28;
	v3 =	vsel vm2, v4, v3  }
0x44: {  	s28 =	simm.s32 $0x0;
	[tilespmem:s25+$0x5000] =	vst v3  }
0x45: {  	[tilespmem:s13], [sflag:$0x9] =	stream.linear.gather [hbm4b:s8+s28], $0x2000, $0x38;
	[tilespmem:$0x19000] =	vst v63  }
0x46: {  	_ =	swait.ge [sflag:s11], $0x2000  }
0x47: {  	[sflag:s11] =	ssyncset.done $0x0  }
0x48: {  	[sflag:s11] =	ssyncadd.s32 $0xFFFFE000  }
0x49: {  	[tilespmem:s15], [sflag:$0x1] =	stream.indirect.gather [hbm4b:s0+s14], $0x80, s13, s14, $0xb8;
	[tilespmem:$0x19000] =	vst v63  }
0x4a: {  	s30 =	simm.s32 $0x7080  }
0x4b: {  	[tilespmem:s17], [sflag:$0x2] =	stream.indirect.gather [hbm4b:s0+s14], $0x80, s30, s14, $0xb8;
	[tilespmem:$0x19000] =	vst v63  }
0x4c: {  	s4 =	simm.s32 $0x7100  }
0x4d: {  	[tilespmem:s19], [sflag:$0x3] =	stream.indirect.gather [hbm4b:s0+s14], $0x80, s4, s14, $0xb8;
	[tilespmem:$0x19000] =	vst v63  }
0x4e: {  	_ =	swait.ge [sflag:s20], $0x4000  }
0x4f: {  	[sflag:s20] =	ssyncset.done $0x0  }
0x50: {  	s16 =	simm.s32 $0x5000;
	[sflag:s20] =	ssyncadd.s32 $0xFFFFC000  }
0x51: {  	[hbm4b:s5+s14] =	stream.indirect.scatter [tilespmem:s15], [sflag:$0x5], $0x80, s16, s14, $0xb8;
	[tilespmem:$0x19000] =	vst v63  }
0x52: {  	s25 =	simm.s32 $0x7180  }
0x53: {  	[tilespmem:s23], [sflag:$0x4] =	stream.indirect.gather [hbm4b:s0+s14], $0x80, s25, s14, $0xb8;
	[tilespmem:$0x19000] =	vst v63  }
0x54: {  	_ =	swait.ge [sflag:s24], $0x4000  }
0x55: {  	[sflag:s24] =	ssyncset.done $0x0  }
0x56: {  	s28 =	simm.s32 $0x5080;
	[sflag:s24] =	ssyncadd.s32 $0xFFFFC000  }
0x57: {  	[hbm4b:s5+s14] =	stream.indirect.scatter [tilespmem:s17], [sflag:$0x6], $0x80, s28, s14, $0xb8;
	[tilespmem:$0x19000] =	vst v63  }
0x58: {  	_ =	swait.ge [sflag:s26], $0x4000  }
0x59: {  	[sflag:s26] =	ssyncset.done $0x0  }
0x5a: {  	s30 =	simm.s32 $0x7200;
	[sflag:s26] =	ssyncadd.s32 $0xFFFFC000  }
0x5b: {  	[tilespmem:s15], [sflag:$0x1] =	stream.indirect.gather [hbm4b:s0+s14], $0x80, s30, s14, $0xb8;
	[tilespmem:$0x19000] =	vst v63  }
0x5c: {  	_ =	swait.ge [sflag:s29], $0x4000  }
0x5d: {  	[sflag:s29] =	ssyncset.done $0x0  }
0x5e: {  	s4 =	simm.s32 $0x5100;
	[sflag:s29] =	ssyncadd.s32 $0xFFFFC000  }
0x5f: {  	[hbm4b:s5+s14] =	stream.indirect.scatter [tilespmem:s19], [sflag:$0x7], $0x80, s4, s14, $0xb8;
	[tilespmem:$0x19000] =	vst v63  }
0x60: {  	_ =	swait.ge [sflag:s31], $0x4000  }
0x61: {  	[sflag:s31] =	ssyncset.done $0x0  }
0x62: {  	s16 =	simm.s32 $0x7280;
	[sflag:s31] =	ssyncadd.s32 $0xFFFFC000  }
0x63: {  	[tilespmem:s17], [sflag:$0x2] =	stream.indirect.gather [hbm4b:s0+s14], $0x80, s16, s14, $0xb8;
	[tilespmem:$0x19000] =	vst v63  }
0x64: {  	_ =	swait.ge [sflag:s2], $0x4000  }
0x65: {  	[sflag:s2] =	ssyncset.done $0x0  }
0x66: {  	s25 =	simm.s32 $0x5180;
	[sflag:s2] =	ssyncadd.s32 $0xFFFFC000  }
0x67: {  	[hbm4b:s5+s14] =	stream.indirect.scatter [tilespmem:s23], [sflag:$0x8], $0x80, s25, s14, $0xb8;
	[tilespmem:$0x19000] =	vst v63  }
0x68: {  	_ =	swait.ge [sflag:s18], $0x4000  }
0x69: {  	[sflag:s18] =	ssyncset.done $0x0  }
0x6a: {  	s28 =	simm.s32 $0x7300;
	[sflag:s18] =	ssyncadd.s32 $0xFFFFC000  }
0x6b: {  	[tilespmem:s19], [sflag:$0x3] =	stream.indirect.gather [hbm4b:s0+s14], $0x80, s28, s14, $0xb8;
	[tilespmem:$0x19000] =	vst v63  }
0x6c: {  	_ =	swait.ge [sflag:s20], $0x4000  }
0x6d: {  	[sflag:s20] =	ssyncset.done $0x0  }
0x6e: {  	s30 =	simm.s32 $0x5200;
	[sflag:s20] =	ssyncadd.s32 $0xFFFFC000  }
0x6f: {  	[hbm4b:s5+s14] =	stream.indirect.scatter [tilespmem:s15], [sflag:$0x5], $0x80, s30, s14, $0xb8;
	[tilespmem:$0x19000] =	vst v63  }
0x70: {  	_ =	swait.ge [sflag:s21], $0x4000  }
0x71: {  	[sflag:s21] =	ssyncset.done $0x0  }
0x72: {  	s4 =	simm.s32 $0x7380;
	[sflag:s21] =	ssyncadd.s32 $0xFFFFC000  }
0x73: {  	[tilespmem:s23], [sflag:$0x4] =	stream.indirect.gather [hbm4b:s0+s14], $0x80, s4, s14, $0xb8;
	[tilespmem:$0x19000] =	vst v63  }
0x74: {  	_ =	swait.ge [sflag:s24], $0x4000  }
0x75: {  	[sflag:s24] =	ssyncset.done $0x0  }
0x76: {  	s16 =	simm.s32 $0x5280;
	[sflag:s24] =	ssyncadd.s32 $0xFFFFC000  }
0x77: {  	[hbm4b:s5+s14] =	stream.indirect.scatter [tilespmem:s17], [sflag:$0x6], $0x80, s16, s14, $0xb8;
	[tilespmem:$0x19000] =	vst v63  }
0x78: {  	_ =	swait.ge [sflag:s26], $0x4000  }
0x79: {  	[sflag:s26] =	ssyncset.done $0x0  }
0x7a: {  	s25 =	simm.s32 $0x7400;
	[sflag:s26] =	ssyncadd.s32 $0xFFFFC000  }
0x7b: {  	[tilespmem:s15], [sflag:$0x1] =	stream.indirect.gather [hbm4b:s0+s14], $0x80, s25, s14, $0xb8;
	[tilespmem:$0x19000] =	vst v63  }
0x7c: {  	_ =	swait.ge [sflag:s29], $0x4000  }
0x7d: {  	[sflag:s29] =	ssyncset.done $0x0  }
0x7e: {  	s28 =	simm.s32 $0x5300;
	[sflag:s29] =	ssyncadd.s32 $0xFFFFC000  }
0x7f: {  	[hbm4b:s5+s14] =	stream.indirect.scatter [tilespmem:s19], [sflag:$0x7], $0x80, s28, s14, $0xb8;
	[tilespmem:$0x19000] =	vst v63  }
0x80: {  	_ =	swait.ge [sflag:s31], $0x4000  }
0x81: {  	[sflag:s31] =	ssyncset.done $0x0  }
0x82: {  	s30 =	simm.s32 $0x7480;
	[sflag:s31] =	ssyncadd.s32 $0xFFFFC000  }
0x83: {  	[tilespmem:s17], [sflag:$0x2] =	stream.indirect.gather [hbm4b:s0+s14], $0x80, s30, s14, $0xb8;
	[tilespmem:$0x19000] =	vst v63  }
0x84: {  	_ =	swait.ge [sflag:s2], $0x4000  }
0x85: {  	[sflag:s2] =	ssyncset.done $0x0  }
0x86: {  	s1 =	simm.s32 $0x5380;
	s25 =	simm.s32 $0x800;
	[sflag:s2] =	ssyncadd.s32 $0xFFFFC000  }
.LBB2_4:
0x87: {  	[hbm4b:s5+s14] =	stream.indirect.scatter [tilespmem:s23], [sflag:$0x8], $0x80, s1, s14, $0xb8;
	[tilespmem:$0x19000] =	vst v63  }
0x88: {  	s1 =	smov.u32 s25  }
0x89: {  	p0 =	sne.s32 s25, $0x6800;
	s25 =	sadd.s32 $0x800, s25;
	_ =	swait.ge [sflag:s18], $0x4000  }
0x8a: {  	s28 =	sshra.s32 s1, $0x2;
	[sflag:s18] =	ssyncset.done $0x0  }
0x8b: {  	s1 =	sadd.s32 $0x7300, s28;
	[sflag:s18] =	ssyncadd.s32 $0xFFFFC000  }
0x8c: {  	[tilespmem:s19], [sflag:$0x3] =	stream.indirect.gather [hbm4b:s0+s14], $0x80, s1, s14, $0xb8;
	[tilespmem:$0x19000] =	vst v63  }
0x8d: {  	_ =	swait.ge [sflag:s20], $0x4000  }
0x8e: {  	[sflag:s20] =	ssyncset.done $0x0  }
0x8f: {  	s1 =	sadd.s32 $0x5200, s28;
	[sflag:s20] =	ssyncadd.s32 $0xFFFFC000  }
0x90: {  	[hbm4b:s5+s14] =	stream.indirect.scatter [tilespmem:s15], [sflag:$0x5], $0x80, s1, s14, $0xb8;
	[tilespmem:$0x19000] =	vst v63  }
0x91: {  	_ =	swait.ge [sflag:s21], $0x4000  }
0x92: {  	[sflag:s21] =	ssyncset.done $0x0  }
0x93: {  	s1 =	sadd.s32 $0x7380, s28;
	[sflag:s21] =	ssyncadd.s32 $0xFFFFC000  }
0x94: {  	[tilespmem:s23], [sflag:$0x4] =	stream.indirect.gather [hbm4b:s0+s14], $0x80, s1, s14, $0xb8;
	[tilespmem:$0x19000] =	vst v63  }
0x95: {  	_ =	swait.ge [sflag:s24], $0x4000  }
0x96: {  	[sflag:s24] =	ssyncset.done $0x0  }
0x97: {  	s1 =	sadd.s32 $0x5280, s28;
	[sflag:s24] =	ssyncadd.s32 $0xFFFFC000  }
0x98: {  	[hbm4b:s5+s14] =	stream.indirect.scatter [tilespmem:s17], [sflag:$0x6], $0x80, s1, s14, $0xb8;
	[tilespmem:$0x19000] =	vst v63  }
0x99: {  	_ =	swait.ge [sflag:s26], $0x4000  }
0x9a: {  	[sflag:s26] =	ssyncset.done $0x0  }
0x9b: {  	s1 =	sadd.s32 $0x7400, s28;
	[sflag:s26] =	ssyncadd.s32 $0xFFFFC000  }
0x9c: {  	[tilespmem:s15], [sflag:$0x1] =	stream.indirect.gather [hbm4b:s0+s14], $0x80, s1, s14, $0xb8;
	[tilespmem:$0x19000] =	vst v63  }
0x9d: {  	_ =	swait.ge [sflag:s29], $0x4000  }
0x9e: {  	[sflag:s29] =	ssyncset.done $0x0  }
0x9f: {  	s1 =	sadd.s32 $0x5300, s28;
	[sflag:s29] =	ssyncadd.s32 $0xFFFFC000  }
0xa0: {  	[hbm4b:s5+s14] =	stream.indirect.scatter [tilespmem:s19], [sflag:$0x7], $0x80, s1, s14, $0xb8;
	[tilespmem:$0x19000] =	vst v63  }
0xa1: {  	_ =	swait.ge [sflag:s31], $0x4000  }
0xa2: {  	[sflag:s31] =	ssyncset.done $0x0  }
.Ltmp1:
0xa3: {  	s1 =	sadd.s32 $0x7480, s28;
	[sflag:s31] =	ssyncadd.s32 $0xFFFFC000;
	(pc) =	sbr.rel @p0 .LBB2_4-.Ltmp1, $4  }
0xa4: {  	[tilespmem:s17], [sflag:$0x2] =	stream.indirect.gather [hbm4b:s0+s14], $0x80, s1, s14, $0xb8;
	[tilespmem:$0x19000] =	vst v63  }
0xa5: {  	_ =	swait.ge [sflag:s2], $0x4000  }
0xa6: {  	[sflag:s2] =	ssyncset.done $0x0  }
0xa7: {  	s1 =	sadd.s32 $0x5380, s28;
	[sflag:s2] =	ssyncadd.s32 $0xFFFFC000  }
0xa8: {  	[hbm4b:s5+s14] =	stream.indirect.scatter [tilespmem:s23], [sflag:$0x8], $0x80, s1, s14, $0xb8;
	[tilespmem:$0x19000] =	vst v63  }
0xa9: {  	_ =	swait.ge [sflag:s18], $0x4000  }
0xaa: {  	[sflag:s18] =	ssyncset.done $0x0  }
0xab: {  	s30 =	simm.s32 $0x8F00;
	[sflag:s18] =	ssyncadd.s32 $0xFFFFC000  }
0xac: {  	[tilespmem:s19], [sflag:$0x3] =	stream.indirect.gather [hbm4b:s0+s14], $0x80, s30, s14, $0xb8;
	[tilespmem:$0x19000] =	vst v63  }
0xad: {  	_ =	swait.ge [sflag:s20], $0x4000  }
0xae: {  	[sflag:s20] =	ssyncset.done $0x0  }
0xaf: {  	s4 =	simm.s32 $0x6E00;
	[sflag:s20] =	ssyncadd.s32 $0xFFFFC000  }
0xb0: {  	[hbm4b:s5+s14] =	stream.indirect.scatter [tilespmem:s15], [sflag:$0x5], $0x80, s4, s14, $0xb8;
	[tilespmem:$0x19000] =	vst v63  }
0xb1: {  	_ =	swait.ge [sflag:s21], $0x4000  }
0xb2: {  	[sflag:s21] =	ssyncset.done $0x0  }
0xb3: {  	s16 =	simm.s32 $0x8F80;
	[sflag:s21] =	ssyncadd.s32 $0xFFFFC000  }
0xb4: {  	[tilespmem:s23], [sflag:$0x4] =	stream.indirect.gather [hbm4b:s0+s14], $0x80, s16, s14, $0xb8;
	[tilespmem:$0x19000] =	vst v63  }
0xb5: {  	_ =	swait.ge [sflag:s24], $0x4000  }
0xb6: {  	[sflag:s24] =	ssyncset.done $0x0  }
0xb7: {  	s25 =	simm.s32 $0x6E80;
	[sflag:s24] =	ssyncadd.s32 $0xFFFFC000  }
0xb8: {  	[hbm4b:s5+s14] =	stream.indirect.scatter [tilespmem:s17], [sflag:$0x6], $0x80, s25, s14, $0xb8;
	[tilespmem:$0x19000] =	vst v63  }
0xb9: {  	_ =	swait.ge [sflag:s29], $0x4000  }
0xba: {  	[sflag:s29] =	ssyncset.done $0x0  }
0xbb: {  	s28 =	simm.s32 $0x6F00;
	[sflag:s29] =	ssyncadd.s32 $0xFFFFC000  }
0xbc: {  	[hbm4b:s5+s14] =	stream.indirect.scatter [tilespmem:s19], [sflag:$0x7], $0x80, s28, s14, $0xb8;
	[tilespmem:$0x19000] =	vst v63  }
0xbd: {  	_ =	swait.ge [sflag:s2], $0x4000  }
0xbe: {  	[sflag:s2] =	ssyncset.done $0x0  }
0xbf: {  	s30 =	simm.s32 $0x6F80;
	[sflag:s2] =	ssyncadd.s32 $0xFFFFC000  }
0xc0: {  	[hbm4b:s5+s14] =	stream.indirect.scatter [tilespmem:s23], [sflag:$0x8], $0x80, s30, s14, $0xb8;
	[tilespmem:$0x19000] =	vst v63  }
0xc1: {  	_ =	swait.ge [sflag:s26], $0x4000  }
0xc2: {  	[sflag:s26] =	ssyncset.done $0x0  }
0xc3: {  	[sflag:s26] =	ssyncadd.s32 $0xFFFFC000  }
0xc4: {  	_ =	swait.ge [sflag:s31], $0x4000  }
0xc5: {  	[sflag:s31] =	ssyncset.done $0x0  }
0xc6: {  	s22 =	sadd.s32 $0x1, s22;
	[sflag:s31] =	ssyncadd.s32 $0xFFFFC000  }
0xc7: {  	p0 =	sne.s32 s22, s9;
	_ =	swait.ge [sflag:s18], $0x4000  }
.Ltmp2:
0xc8: {  	[sflag:s18] =	ssyncset.done $0x0;
	(pc) =	sbr.rel @p0 .LBB2_1-.Ltmp2, $4  }
0xc9: {  	[sflag:s18] =	ssyncadd.s32 $0xFFFFC000  }
0xca: {  	_ =	swait.ge [sflag:s21], $0x4000  }
0xcb: {  	[sflag:s21] =	ssyncset.done $0x0  }
0xcc: {  	[sflag:s21] =	ssyncadd.s32 $0xFFFFC000  }
0xcd: {  	_ =	sfence.sel $0x180000  }
0xce: {  	[bflag:$0x0] =	sbarrier.arrive $0xFFFF  }
0xcf: {  	_ =	strace $0x9000004D  }
0xd0: {  	s0 =	stileid.u32;
	[bflag:$0x2] =	sbarrier.arrive $0xFFFF  }
0xd1: {  	p0 =	sne.s32 s0, $0x0;
	s0 =	rddreg [dreg:$0x3]  }
0xd2: {  	s0 =	sadd.s32 @!p0 $0x100000, s0  }
0xd3: {  	[sflag:s0] =	ssyncadd.tile.s32 @!p0 $0x1;
	_ =	shalt  }
.Lfunc_end2:
_tile_overlayer_lowered:
.L_overlay_start_2:
0xd4: {  	(tag) =	ssettag $0x2  }
0xd5: {  	s0 =	rddreg [dreg:$0x0];
	s2 =	stileid.u32  }
0xd6: {  	s1 =	rddreg [dreg:$0x1];
	p0 =	sne.s32 s2, $0x0  }
0xd7: {  	s3 =	rddreg [dreg:$0x2];
	[bflag:$0x3] =	sbarrier.arrive $0xFFFF;
	s2 =	simm.s32 @!p0 $0x1C09  }
0xd8: {  	[timem:s3], [sflag:s2] =	dma.local @!p0 [hbm:s0], s1  }
0xd9: {  	s0 =	simm.s32 @!p0 $0x9  }
0xda: {  	_ =	swait.ge @!p0 [sflag:s0], s1  }
0xdb: {  	s1 =	ssub.s32 @!p0 $0x0, s1;
	[sflag:s0] =	ssyncset.done @!p0 $0x0  }
0xdc: {  	[sflag:s0] =	ssyncadd.s32 @!p0 s1  }
0xdd: {  	[bflag:$0x3] =	sbarrier.arrive $0xFFFF  }
0xde: {  	_ =	shalt  }

// kernel: kernel.7.cloned.1.call-start
scs
__scs_entry_jumppad:
0x0: {  	(pc) =	sbr.rel $0x88, $3  }
0x1: {  	(tag) =	ssettag $0x0;
	lr =	simm.s32 $0x1  }
0x2: {  	[smem:$0x3F9C] =	sst lr;
	_ =	strace $0xD0000000  }
0x3: {  	_ = 	snop  }
0x4: {  	_ = 	snop  }
0x5: {  	_ = 	snop  }
0x6: {  	_ = 	snop  }
0x7: {  	_ = 	snop  }
__scs_overlays_trampoline_lowered:
0x8: {  	[smem:$0x3FAB] =	sst s0  }
0x9: {  	[smem:$0x3FAC] =	sst s1  }
0xa: {  	[smem:$0x3FAD] =	sst s2  }
0xb: {  	[smem:$0x3FAE] =	sst s3  }
0xc: {  	[smem:$0x3FAF] =	sst s4  }
0xd: {  	[smem:$0x3FB0] =	sst s5  }
0xe: {  	[smem:$0x3FB1] =	sst s6  }
0xf: {  	[smem:$0x3FB2] =	sst s7  }
0x10: {  	[smem:$0x3FB3] =	sst s8  }
0x11: {  	[smem:$0x3FB4] =	sst s9;
	s0 =	simm.s32 @!p0 $0x0  }
0x12: {  	s1 =	sld [smem:$0x3F9A];
	s0 =	simm.s32 @p0 $0x1  }
0x13: {  	[smem:$0x3FB5] =	sst s0;
	s0 =	simm.s32 @!p1 $0x0  }
0x14: {  	s2 =	sld [smem:$0x3F99];
	s0 =	simm.s32 @p1 $0x1  }
0x15: {  	[smem:$0x3FB6] =	sst s0;
	s0 =	simm.s32 @!p2 $0x0  }
0x16: {  	s3 =	sld [smem:$0x3FDB];
	s0 =	simm.s32 @p2 $0x1  }
0x17: {  	s4 =	simm.s32 $0x1BF5;
	[smem:$0x3FB8] =	sst s0  }
0x18: {  	s0 =	sld [smem:$0x3F9B];
	_ =	swait.ge [sflag:s4], $0x0  }
0x19: {  	s7 =	sld [smem:$0x3F9C]  }
0x1a: {  	s8 =	sadd.s32 $0xFFFFE003, lr  }
0x1b: {  	s9 =	sadd.s32 $0xFFFFFEF7, lr;
	s5 =	simm.s32 $0xFFFFFFFF;
	p2 =	slt.u32 s8, $0xFFFFF086  }
0x1c: {  	p1 =	slt.u32 s9, $0xF7A;
	s5 =	simm.s32 @!p2 $0x0  }
0x1d: {  	s5 =	simm.s32 @p1 $0x1;
	p0 =	seq.s32 s7, s2  }
0x1e: {  	s7 =	smul.u32 @!p0 $0xF7A, s2;
	p2 =	seq.s32 @!p0 s5, $0x0  }
0x1f: {  	s9 =	smul.u32 $0xF7A, s1;
	s8 =	simm.s32 @!p0 $0x1BF5;
	p2 =	por !p2, p0  }
0x20: {  	[sflag:s8] =	ssyncset.s32 @!p0 $0xFFFFF086;
	s6 =	sadd.s32 @!p0 s3, s7;
	s7 =	simm.s32 @!p0 $0x108  }
0x21: {  	s3 =	sadd.s32 s3, s9;
	s6 =	sadd.s32 @!p0 $0x88, s6;
	s7 =	simm.s32 @p2 $0x1082  }
0x22: {  	[simem:s7], [sflag:s8] =	dma.local @!p0 [hbm:s6], $0xF7A  }
0x23: {  	s9 =	sor.u32 $0xD0000000, s2;
	s6 =	simm.s32 $0x108;
	_ =	swait.ge @!p0 [sflag:s8], $0x0  }
0x24: {  	s3 =	sadd.s32 $0x88, s3;
	s6 =	simm.s32 @!p1 $0x1082;
	[sflag:s4] =	ssyncset.s32 $0xFFFFF086  }
0x25: {  	[simem:s6], [sflag:s4] =	dma.local [hbm:s3], $0xF7A  }
0x26: {  	[smem:$0x3F9C] =	sst s1;
	(tag) =	ssettag s2;
	_ =	strace s9  }
0x27: {  	s1 =	sld [smem:$0x3FAC]  }
0x28: {  	s2 =	sld [smem:$0x3FAD]  }
0x29: {  	s4 =	sld [smem:$0x3FAF]  }
0x2a: {  	p0 =	seq.s32 s5, $0x0;
	s5 =	sld [smem:$0x3FB0]  }
0x2b: {  	s6 =	sld [smem:$0x3FB1]  }
0x2c: {  	s7 =	sld [smem:$0x3FB2]  }
0x2d: {  	s3 =	simm.s32 $0x108;
	s8 =	sld [smem:$0x3FB3]  }
0x2e: {  	s3 =	simm.s32 @!p0 $0x1082;
	s9 =	sld [smem:$0x3FB4]  }
0x2f: {  	lr =	sadd.s32 s0, s3;
	s0 =	sld [smem:$0x3FAB]  }
0x30: {  	s3 =	sld [smem:$0x3FAE]  }
0x31: {  	[smem:$0x3FB7] =	sst s10  }
0x32: {  	s10 =	sld [smem:$0x3FB5];
	_ =	sdelay $0x3  }
0x33: {  	p0 =	seq.s32 s10, $0x1;
	s10 =	sld [smem:$0x3FB7];
	_ =	sdelay $0x3  }
0x34: {  	[smem:$0x3FB7] =	sst s10  }
0x35: {  	s10 =	sld [smem:$0x3FB6];
	_ =	sdelay $0x3  }
0x36: {  	p1 =	seq.s32 s10, $0x1;
	s10 =	sld [smem:$0x3FB7];
	_ =	sdelay $0x3  }
0x37: {  	[smem:$0x3FB7] =	sst s10  }
0x38: {  	s10 =	sld [smem:$0x3FB8]  }
0x39: {  	_ = 	snop;
	(pc) =	sbr.ind lr, $3  }
0x3a: {  	_ = 	snop  }
0x3b: {  	_ = 	snop  }
0x3c: {  	p2 =	seq.s32 s10, $0x1;
	s10 =	sld [smem:$0x3FB7]  }
0x3d: {  	_ =	shalt  }
0x3e: {  	_ =	shalt  }
0x3f: {  	_ =	shalt  }
0x40: {  	_ =	shalt  }
0x41: {  	_ =	shalt  }
0x42: {  	_ =	shalt  }
0x43: {  	_ =	shalt  }
0x44: {  	_ =	shalt  }
0x45: {  	_ =	shalt  }
0x46: {  	_ =	shalt  }
0x47: {  	_ =	shalt  }
0x48: {  	_ =	shalt  }
0x49: {  	_ =	shalt  }
0x4a: {  	_ =	shalt  }
0x4b: {  	_ =	shalt  }
0x4c: {  	_ =	shalt  }
0x4d: {  	_ =	shalt  }
0x4e: {  	_ =	shalt  }
0x4f: {  	_ =	shalt  }
0x50: {  	_ =	shalt  }
0x51: {  	_ =	shalt  }
0x52: {  	_ =	shalt  }
0x53: {  	_ =	shalt  }
0x54: {  	_ =	shalt  }
0x55: {  	_ =	shalt  }
0x56: {  	_ =	shalt  }
0x57: {  	_ =	shalt  }
0x58: {  	_ =	shalt  }
0x59: {  	_ =	shalt  }
0x5a: {  	_ =	shalt  }
0x5b: {  	_ =	shalt  }
0x5c: {  	_ =	shalt  }
0x5d: {  	_ =	shalt  }
0x5e: {  	_ =	shalt  }
0x5f: {  	_ =	shalt  }
0x60: {  	_ =	shalt  }
0x61: {  	_ =	shalt  }
0x62: {  	_ =	shalt  }
0x63: {  	_ =	shalt  }
0x64: {  	_ =	shalt  }
0x65: {  	_ =	shalt  }
0x66: {  	_ =	shalt  }
0x67: {  	_ =	shalt  }
0x68: {  	_ =	shalt  }
0x69: {  	_ =	shalt  }
0x6a: {  	_ =	shalt  }
0x6b: {  	_ =	shalt  }
0x6c: {  	_ =	shalt  }
0x6d: {  	_ =	shalt  }
0x6e: {  	_ =	shalt  }
0x6f: {  	_ =	shalt  }
0x70: {  	_ =	shalt  }
0x71: {  	_ =	shalt  }
0x72: {  	_ =	shalt  }
0x73: {  	_ =	shalt  }
0x74: {  	_ =	shalt  }
0x75: {  	_ =	shalt  }
0x76: {  	_ =	shalt  }
0x77: {  	_ =	shalt  }
0x78: {  	_ =	shalt  }
0x79: {  	_ =	shalt  }
0x7a: {  	_ =	shalt  }
0x7b: {  	_ =	shalt  }
0x7c: {  	_ =	shalt  }
0x7d: {  	_ =	shalt  }
0x7e: {  	_ =	shalt  }
0x7f: {  	_ =	shalt  }
0x80: {  	_ =	shalt  }
0x81: {  	_ =	shalt  }
0x82: {  	_ =	shalt  }
0x83: {  	_ =	shalt  }
0x84: {  	_ =	shalt  }
0x85: {  	_ =	shalt  }
0x86: {  	_ =	shalt  }
0x87: {  	_ =	shalt  }
.Lfunc_end0:
.L_simem_size_0:
called_computation_lowered:
.L_overlay_start_0:
0x88: {  	s2 =	sld [smem:$0x3FD9]  }
0x89: {  	s3 =	sld [smem:$0x3FFE];
	_ =	sdelay $0x1  }
0x8a: {  	s1 =	srdreg.scid  }
0x8b: {  	s0 =	sand.u32 $0x1, s1  }
0x8c: {  	s14 =	sshll.u32 s0, $0xA;
	s2 =	sadd.s32 s3, s2  }
0x8d: {  	s2 =	sadd.s32 s2, s14  }
0x8e: {  	[smem:$0x3FC3] =	sst s2  }
0x8f: {  	_ = 	snop  }
0x90: {  	s2 =	sld [smem:$0x3FD0];
	_ =	sdelay $0x2  }
0x91: {  	s4 =	simm.s32 $0xB;
	s5 =	simm.s32 $0x10;
	s15 =	sld [smem:$0x3FC6]  }
0x92: {  	[smem:s5], [sflag:s4] =	dma.local [hbm:s2], $0x1  }
0x93: {  	_ =	swait.eq [sflag:s4], $0x1  }
0x94: {  	[sflag:s4] =	ssyncset.done $0x0  }
0x95: {  	[sflag:s4] =	ssyncadd.s32 $0xFFFFFFFF  }
0x96: {  	s16 =	sld [smem:$0x11];
	(tm) =	ssettm $0x1  }
0x97: {  	s17 =	sld [smem:$0x3FFB];
	_ =	sdelay $0x3  }
0x98: {  	_ =	strace s17  }
0x99: {  	s4 =	sld [smem:$0x3FFC];
	_ =	sdelay $0x3  }
0x9a: {  	_ =	strace s4  }
0x9b: {  	s4 =	sld [smem:$0x3FFD];
	_ =	sdelay $0x3  }
0x9c: {  	_ =	strace s4  }
0x9d: {  	_ =	strace $0x8FFFFFFF  }
0x9e: {  	s18 =	sld [smem:$0x3FDB];
	_ =	sdelay $0x1  }
0x9f: {  	s19 =	simm.s32 $_scs_section_size  }
0xa0: {  	s6 =	simm.s32 $_size__tile_overlayer_lowered;
	s7 =	simm.s32 $_tile_overlayer_lowered  }
0xa1: {  	s22 =	simm.s32 $0x1BFF;
	s21 =	sshll.u32 s7, $0x1;
	s4 =	sadd.s32 s19, s18  }
0xa2: {  	s8 =	simm.s32 $0x0;
	s20 =	sshll.u32 s6, $0x1;
	s6 =	sadd.s32 s21, s4  }
0xa3: {  	[timem:s8], [sflag:s22] =	dma.local [hbm:s6], s20  }
0xa4: {  	_ =	swait.ge [sflag:s22], s20  }
0xa5: {  	s5 =	ssub.s32 $0x0, s20;
	[sflag:s22] =	ssyncset.done $0x0  }
0xa6: {  	[sflag:s22] =	ssyncadd.s32 s5;
	_ =	sdelay $0x1  }
0xa7: {  	s23 =	simm.s32 $0x1B8B  }
0xa8: {  	_ =	swait.ge [sflag:s23], $0x1  }
0xa9: {  	[sflag:s23] =	ssyncset.done $0x0  }
0xaa: {  	s25 =	simm.s32 $0x1B8E;
	s24 =	sld [smem:$0x3FFE];
	[sflag:s23] =	ssyncadd.s32 $0xFFFFFFFF  }
0xab: {  	s26 =	simm.s32 $execute0_lowered;
	[smem:$0x3FD2] =	sst s25  }
0xac: {  	s6 =	sshll.u32 s26, $0x1;
	_ =	strace $0x80000046;
	[dreg:$0x1] =	wrdreg $0xFFFFFFFF  }
0xad: {  	s28 =	simm.s32 $_size_execute0_lowered;
	s4 =	sadd.s32 s4, s6;
	[dreg:$0x0] =	wrdreg $0x0  }
0xae: {  	s6 =	sshll.u32 s28, $0x1;
	[dreg:$0x2] =	wrdreg s4  }
0xaf: {  	[dreg:$0x3] =	wrdreg s6  }
0xb0: {  	[dreg:$0x4] =	wrdreg $0xC0  }
0xb1: {  	_ =	task [dreg:s8], $0x5FFFF  }
0xb2: {  	[dreg:$0x1] =	wrdreg $0xFFFFFFFF  }
0xb3: {  	[dreg:$0x0] =	wrdreg $0x60  }
0xb4: {  	[dreg:$0x2] =	wrdreg s16  }
0xb5: {  	[dreg:$0x3] =	wrdreg s15  }
0xb6: {  	[dreg:$0x4] =	wrdreg s24  }
0xb7: {  	[dreg:$0x5] =	wrdreg $0x9  }
0xb8: {  	_ =	task.clear_ibuf [dreg:s8], $0x6FFFF;
	_ =	strace $0x90000046  }
0xb9: {  	s29 =	simm.s32 $0x9;
	_ =	strace $0x80000048  }
0xba: {  	_ =	swait.ge [sflag:s29], $0x1  }
0xbb: {  	[sflag:s29] =	ssyncadd.s32 $0xFFFFFFFF  }
0xbc: {  	_ =	strace $0x90000048  }
0xbd: {  	_ =	sfence  }
0xbe: {  	s30 =	sld [smem:$0x0];
	_ =	sdelay $0x2  }
0xbf: {  	s31 =	sshll.u32 s1, $0xD;
	s1 =	sshrl.u32 s1, $0x2  }
0xc0: {  	s3 =	sand.u32 $0x4000, s31;
	s1 =	sadd.s32 s1, s30  }
0xc1: {  	s0 =	sor.u32 s3, s0;
	s1 =	sshll.u32 s1, $0x11  }
0xc2: {  	s0 =	sor.u32 s1, s0  }
0xc3: {  	s0 =	sadd.s32 $0x8F2B, s0  }
0xc4: {  	[sflag:s0] =	ssyncadd.remote.s32 $0x1  }
0xc5: {  	_ =	sfence.sel $0xFFFF  }
0xc6: {  	[dreg:$0x0] =	wrdreg $0xFFFFFFFF;
	(pc) =	sbr.abs _section_cstart, $3  }
0xc7: {  	[dreg:$0x1] =	wrdreg $0xFFFFFFFF  }
0xc8: {  	_ =	task.clear_ibuf [dreg:s8], $0x2FFFF;
	_ =	strace $0x9FFFFFFF  }
0xc9: {  	(tm) =	ssettm $0x7FFFFFFF  }
tec
execute0_lowered:
.L_overlay_start_1:
0x0: {  	(tag) =	ssettag $0x1  }
0x1: {  	s1 =	rddreg [dreg:$0x0]  }
0x2: {  	s4 =	rddreg [dreg:$0x1]  }
0x3: {  	s5 =	rddreg [dreg:$0x2]  }
0x4: {  	s2 =	srdreg.scid;
	s0 =	rddreg [dreg:$0x3];
	s3 =	simm.s32 $0x0  }
0x5: {  	s11 =	simm.s32 $0x12000;
	s12 =	simm.s32 $0x14000;
	s13 =	simm.s32 $0x16000  }
0x6: {  	s14 =	simm.s32 $0x0;
	s6 =	sand.u32 $0x1, s2;
	[smem:$0x7FF] =	sst s3  }
0x7: {  	s2 =	stileid.u32;
	s7 =	sshll.u32 s6, $0x4;
	s6 =	ssub.s32 $0x2, s6  }
0x8: {  	_ =	strace $0x80000047;
	s7 =	sor.u32 s2, s7;
	s31 =	sshrl.u32 s6, $0x1  }
0x9: {  	s8 =	sshll.u32 s7, $0xA;
	s7 =	sshll.u32 s7, $0x4;
	s10 =	ssub.s32 s6, s31  }
0xa: {  	s9 =	sadd.s32 s8, s5;
	s7 =	sadd.s32 s7, s5;
	s4 =	sadd.s32 s4, s8  }
0xb: {  	s8 =	smax.u32 s10, $0x1;
	s10 =	simm.s32 $0x10000;
	s5 =	sadd.s32 $0x1C00, s9  }
0xc: {  	vm0 =	vcmask $0x300;
	v0 =	vimm.s32 $0x0;
	s6 =	sadd.s32 $0x9C00, s9;
	s7 =	sadd.s32 $0x11C00, s7;
	s9 =	simm.s32 $0x1  }
.LBB2_1:
0xd: {  	[tilespmem:s3], [sflag:$0x1] =	stream.linear.gather [hbm4b:s1+s3], $0x10000, $0x38;
	[tilespmem:$0x16080] =	vst v63  }
0xe: {  	_ =	swait.ge [sflag:s9], $0x10000  }
0xf: {  	[sflag:s9] =	ssyncset.done $0x0  }
0x10: {  	[sflag:s9] =	ssyncadd.s32 $0xFFFF0000  }
0x11: {  	[tilespmem:s10], [sflag:$0x1] =	stream.linear.gather [hbm4b:s4+s3], $0x2000, $0x38;
	[tilespmem:$0x16080] =	vst v63  }
0x12: {  	_ =	swait.ge [sflag:s9], $0x2000  }
0x13: {  	[sflag:s9] =	ssyncset.done $0x0  }
0x14: {  	s16 =	simm.s32 $0x0;
	[sflag:s9] =	ssyncadd.s32 $0xFFFFE000  }
0x15: {  	v1 =	vld [tilespmem:s16+$0x10000];
	_ =	sdelay $0x7  }
0x16: {  	v1 =	vld.idx.msk [tilespmem:v1+s3+$0x0], $0xffff;
	_ =	sdelay $0x4  }
0x17: {  	v1 =	vsub.s32 $0x1, v1  }
0x18: {  	(xrf0) =	vadd.scan.msk.s32 $0xffff, v1;
	_ =	sdelay $0x1  }
0x19: {  	s15 =	simm.s32 $0x10;
	[tilespmem:s16+$0x12000] =	vst v1  }
0x1a: {  	v1 =	vld [tilespmem:s15+$0x10000];
	_ =	sdelay $0x2  }
0x1b: {  	v2, _, _ =	vpop (xrf0)  }
0x1c: {  	(v2sf) =	vpush v2, $0xF;
	_ =	sdelay $0x1  }
0x1d: {  	v3 =	vadd.s32 s3, v2  }
0x1e: {  	[tilespmem:s16+$0x14000] =	vst v3  }
0x1f: {  	v1 =	vld.idx.msk [tilespmem:v1+s3+$0x0], $0xffff;
	_ =	sdelay $0x4  }
0x20: {  	v1 =	vsub.s32 $0x1, v1  }
0x21: {  	(xrf0) =	vadd.scan.msk.s32 $0xffff, v1  }
0x22: {  	s18 =	simm.s32 $0xC0;
	s17 =	simm.s32 $0x0;
	s16 =	simm.s32 $0x20;
	[tilespmem:s15+$0x12000] =	vst v1  }
.LBB2_2:
0x23: {  	p0 =	sne.s32 s18, $0x7FC0;
	v1 =	vld [tilespmem:s16+$0x10000];
	_ =	sdelay $0x2  }
0x24: {  	s19 =	spop (v2sf)  }
0x25: {  	v2, _, _ =	vpop (xrf0);
	s17 =	sadd.s32 s17, s19  }
0x26: {  	v3 =	vadd.s32 s17, v2;
	(v2sf) =	vpush v2, $0xF  }
0x27: {  	[tilespmem:s15+$0x14000] =	vst v3;
	s15 =	smov.u32 s16;
	_ =	sdelay $0x1  }
0x28: {  	v1 =	vld.idx.msk [tilespmem:v1+s3+$0x0], $0xffff;
	_ =	sdelay $0x3  }
.Ltmp0:
0x29: {  	(pc) =	sbr.rel @p0 .LBB2_2-.Ltmp0, $4  }
0x2a: {  	_ = 	snop  }
0x2b: {  	v1 =	vsub.s32 $0x1, v1  }
0x2c: {  	[tilespmem:s15+$0x12000] =	vst v1;
	(xrf0) =	vadd.scan.msk.s32 $0xffff, v1  }
0x2d: {  	s16 =	sshra.s32 s18, $0x2;
	s18 =	sadd.s32 $0x40, s18  }
0x2e: {  	v1 =	vld [tilespmem:s16+$0x10000];
	_ =	sdelay $0x3  }
0x2f: {  	s18 =	spop (v2sf)  }
0x30: {  	v2, _, _ =	vpop (xrf0);
	s17 =	sadd.s32 s17, s18  }
0x31: {  	v3 =	vadd.s32 s17, v2  }
0x32: {  	[tilespmem:s15+$0x14000] =	vst v3  }
0x33: {  	v1 =	vld.idx.msk [tilespmem:v1+s3+$0x0], $0xffff;
	_ =	sdelay $0x4  }
0x34: {  	v1 =	vsub.s32 $0x1, v1  }
0x35: {  	(v2sf) =	vpush v2, $0xF;
	(xrf0) =	vadd.scan.msk.s32 $0xffff, v1;
	_ =	sdelay $0x5  }
0x36: {  	v2, _, _ =	vpop (xrf0)  }
0x37: {  	(v2sf) =	vpush v2, $0xF;
	_ =	sdelay $0x7  }
0x38: {  	s30 =	spop (v2sf)  }
0x39: {  	s15 =	sadd.s32 s17, s30  }
0x3a: {  	[tilespmem:s16+$0x12000] =	vst v1;
	v1 =	vadd.s32 s15, v2  }
0x3b: {  	[tilespmem:s16+$0x14000] =	vst v1  }
0x3c: {  	[tilespmem:$0x16010] =	vst v0  }
0x3d: {  	[tilespmem:$0x16020] =	vst v0  }
0x3e: {  	[tilespmem:$0x16030] =	vst v0  }
0x3f: {  	[tilespmem:$0x16040] =	vst v0;
	s31 =	spop (v2sf)  }
0x40: {  	[tilespmem:$0x16050] =	vst v0;
	s17 =	sadd.s32 s15, s31  }
0x41: {  	[tilespmem:$0x16060] =	vst v0;
	v2 =	vmov s17  }
0x42: {  	[tilespmem:$0x16070] =	vst v0;
	v1 =	vnsel vm0, $0x0, v2  }
0x43: {  	[tilespmem:$0x16000] =	vst v1  }
0x44: {  	[hbm4b:s5+s3] =	stream.linear.scatter [tilespmem:s11], [sflag:$0x1], $0x2000, $0x38;
	[tilespmem:$0x16080] =	vst v63  }
0x45: {  	_ =	swait.ge [sflag:s9], $0x2000  }
0x46: {  	[sflag:s9] =	ssyncset.done $0x0  }
0x47: {  	[sflag:s9] =	ssyncadd.s32 $0xFFFFE000  }
0x48: {  	[hbm4b:s6+s3] =	stream.linear.scatter [tilespmem:s12], [sflag:$0x1], $0x2000, $0x38;
	[tilespmem:$0x16080] =	vst v63  }
0x49: {  	s14 =	sadd.s32 $0x1, s14;
	_ =	swait.ge [sflag:s9], $0x2000  }
0x4a: {  	p0 =	sne.s32 s14, s8;
	[sflag:s9] =	ssyncset.done $0x0  }
.Ltmp1:
0x4b: {  	[sflag:s9] =	ssyncadd.s32 $0xFFFFE000;
	(pc) =	sbr.rel @p0 .LBB2_1-.Ltmp1, $4  }
0x4c: {  	[hbm4b:s7+s3] =	stream.linear.scatter [tilespmem:s13], [sflag:$0x1], $0x80, $0x38;
	[tilespmem:$0x16080] =	vst v63  }
0x4d: {  	_ =	swait.ge [sflag:s9], $0x80  }
0x4e: {  	[sflag:s9] =	ssyncset.done $0x0  }
0x4f: {  	[sflag:s9] =	ssyncadd.s32 $0xFFFFFF80  }
0x50: {  	_ =	sfence.sel $0x180000  }
0x51: {  	[bflag:$0x0] =	sbarrier.arrive $0xFFFF  }
0x52: {  	p0 =	sne.s32 s2, $0x0;
	_ =	strace $0x90000047  }
0x53: {  	s0 =	sadd.s32 @!p0 $0x100000, s0;
	[bflag:$0x2] =	sbarrier.arrive $0xFFFF  }
0x54: {  	[sflag:s0] =	ssyncadd.tile.s32 @!p0 $0x1;
	_ =	shalt  }
.Lfunc_end2:
_tile_overlayer_lowered:
.L_overlay_start_2:
0x55: {  	(tag) =	ssettag $0x2  }
0x56: {  	s0 =	rddreg [dreg:$0x0];
	s2 =	stileid.u32  }
0x57: {  	s1 =	rddreg [dreg:$0x1];
	p0 =	sne.s32 s2, $0x0  }
0x58: {  	s3 =	rddreg [dreg:$0x2];
	[bflag:$0x3] =	sbarrier.arrive $0xFFFF;
	s2 =	simm.s32 @!p0 $0x1C01  }
0x59: {  	[timem:s3], [sflag:s2] =	dma.local @!p0 [hbm:s0], s1  }
0x5a: {  	s0 =	simm.s32 @!p0 $0x1  }
0x5b: {  	_ =	swait.ge @!p0 [sflag:s0], s1  }
0x5c: {  	s1 =	ssub.s32 @!p0 $0x0, s1;
	[sflag:s0] =	ssyncset.done @!p0 $0x0  }
0x5d: {  	[sflag:s0] =	ssyncadd.s32 @!p0 s1  }
0x5e: {  	[bflag:$0x3] =	sbarrier.arrive $0xFFFF  }
0x5f: {  	_ =	shalt  }

</sc_bundles>
